<compile_context>
chip_gen: v7x
topology: tpu7x:2x2x1
jax: 0.10.2.dev20260603
libtpu: 0.0.44.dev20260713+nightly
codegen_flags: <defaults>
</compile_context>

<pallas_src>
import functools

import jax
import jax.numpy as jnp
from jax import lax
from jax.experimental import pallas as pl
from jax.experimental.pallas import tpu as pltpu
from jax.experimental.pallas import tpu_sc as plsc

_NC, _NS = 2, 16
_NW = _NC * _NS


def _argmax_body(x_ref, wk_ref, wg_ref, idx_ref, wgt_ref, *, kh):
    xn = x_ref[...]
    bm = xn.shape[0]
    h = wk_ref.shape[0]
    wgt_ref[:, :wg_ref.shape[0]] = jnp.transpose(wg_ref[...])
    m = jnp.full((bm, 1), -jnp.inf, jnp.float32)
    best = jnp.full((bm, 1), jnp.float32(h), jnp.float32)
    for k in range(h // kh):
        wk = wk_ref[k * kh:(k + 1) * kh, :]
        s = lax.dot_general(xn, wk, (((1,), (1,)), ((), ())),
                            preferred_element_type=jnp.float32)
        mk = jnp.max(s, axis=1, keepdims=True)
        hi = lax.broadcasted_iota(jnp.int32, s.shape, 1).astype(jnp.float32) \
            + jnp.float32(k * kh)
        ik = jnp.min(jnp.where(s == mk, hi, jnp.float32(h)), axis=1,
                     keepdims=True)
        upd = mk > m
        m = jnp.where(upd, mk, m)
        best = jnp.where(upd, ik, best)
    idx_ref[...] = best[:, 0].astype(jnp.int32)


def _argmax_call(x, Wk, Wg, c_pad, bm, kh):
    b, in_dim = x.shape
    h = Wk.shape[0]
    c = Wg.shape[0]
    grid = b // bm
    hs = h // grid
    return pl.pallas_call(
        functools.partial(_argmax_body, kh=kh),
        grid=(grid,),
        in_specs=[
            pl.BlockSpec((bm, in_dim), lambda i: (i, 0)),
            pl.BlockSpec((h, in_dim), lambda i: (0, 0)),
            pl.BlockSpec((c, hs), lambda i: (0, i)),
        ],
        out_specs=[
            pl.BlockSpec((bm,), lambda i: (i,)),
            pl.BlockSpec((hs, c_pad), lambda i: (i, 0)),
        ],
        out_shape=[
            jax.ShapeDtypeStruct((b,), jnp.int32),
            jax.ShapeDtypeStruct((h, c_pad), jnp.float32),
        ],
    )(x, Wk, Wg)


def _make_gather(h, c_pad, c_out, b, chunk):
    b_per_w = b // _NW
    n = b_per_w // chunk
    mesh = plsc.VectorSubcoreMesh(core_axis_name="c", subcore_axis_name="s")

    @functools.partial(
        pl.kernel,
        out_type=jax.ShapeDtypeStruct((b, c_out), jnp.float32),
        mesh=mesh,
        scratch_types=[
            pltpu.VMEM((b_per_w,), jnp.int32),
            pltpu.VMEM((chunk, c_pad), jnp.float32),
            pltpu.VMEM((chunk, c_pad), jnp.float32),
            pltpu.SemaphoreType.DMA,
            pltpu.SemaphoreType.DMA,
            pltpu.SemaphoreType.DMA,
            pltpu.SemaphoreType.DMA,
        ],
    )
    def _gather(table_hbm, idx_hbm, out_hbm, idx_v, rows0, rows1,
                g0, g1, s0, s1):
        wid = lax.axis_index("s") * _NC + lax.axis_index("c")
        base = wid * b_per_w
        pltpu.sync_copy(idx_hbm.at[pl.ds(base, b_per_w)], idx_v)
        bufs, gsem, ssem = (rows0, rows1), (g0, g1), (s0, s1)
        gh = [None] * n
        sh = [None] * n
        gh[0] = pltpu.async_copy(
            table_hbm.at[idx_v.at[pl.ds(0, chunk)]], bufs[0], gsem[0])
        for t in range(n):
            cur = t & 1
            if t + 1 < n:
                if t >= 1:
                    sh[t - 1].wait()
                gh[t + 1] = pltpu.async_copy(
                    table_hbm.at[idx_v.at[pl.ds((t + 1) * chunk, chunk)]],
                    bufs[(t + 1) & 1], gsem[(t + 1) & 1])
            gh[t].wait()
            src = bufs[cur] if c_out == c_pad \
                else bufs[cur].at[:, pl.ds(0, c_out)]
            sh[t] = pltpu.async_copy(
                src, out_hbm.at[pl.ds(base + t * chunk, chunk)], ssem[cur])
        sh[n - 2].wait()
        sh[n - 1].wait()

    return _gather


def kernel(x, Wk, Wg):
    xn = x / jnp.linalg.norm(x, axis=1, keepdims=True)
    c = Wg.shape[0]
    c_pad = (c + 127) // 128 * 128
    idx, WgT = _argmax_call(xn, Wk, Wg, c_pad, bm=512, kh=1024)
    gather = _make_gather(WgT.shape[0], c_pad, c_pad, x.shape[0], chunk=32)
    return gather(WgT, idx)[:, :c]

# --- scband reference (transcript-rebuilt; emitter-appended) ---
"""Pipeline reference for scband-counter-propagation-network-6605659701676 (READ-ONLY COPY).

The authoritative reference and input builder live on the scoring server;
editing this copy changes nothing except your own understanding.
"""

import jax, jax.numpy as jnp
import numpy as np

B, IN, H, C = 16384, 64, 8192, 1000

def setup_inputs(seed: int = 0) -> dict:
    key = jax.random.key(seed)
    k1, k2, k3 = jax.random.split(key, 3)
    x = jax.random.normal(k1, (B, IN), dtype=jnp.float32)
    # torch nn.Linear weight layout: [out_features, in_features]
    Wk = jax.random.uniform(k2, (H, IN), minval=-1.0, maxval=1.0, dtype=jnp.float32)
    Wg = jax.random.uniform(k3, (C, H), minval=-1.0, maxval=1.0, dtype=jnp.float32)
    return {"x": x, "Wk": Wk, "Wg": Wg}

def reference(x, Wk, Wg):
    # x = x / torch.norm(x, dim=1, keepdim=True)
    xn = x / jnp.linalg.norm(x, axis=1, keepdims=True)
    # kohonen_out = self.kohonen(x)  (Linear, no bias)
    kohonen_out = xn @ Wk.T
    # winner-take-all: argmax over hidden units
    indices = jnp.argmax(kohonen_out, axis=1)
    # one-hot activation via scatter-set of constant 1.0 (detached, as in torch)
    kohonen_activated = jnp.zeros_like(kohonen_out).at[jnp.arange(kohonen_out.shape[0]), indices].set(1.0)
    # out = self.grossberg(kohonen_activated)
    out = kohonen_activated @ Wg.T
    return out

if __name__ == "__main__":
    import jax
    _d = setup_inputs()
    print(jax.jit(kernel)(*tuple(_d.values())))

</pallas_src>

<mosaic_0001>
#map = affine_map<(d0, d1) -> (0, 0)>
#map1 = affine_map<(d0, d1) -> (0)>
module attributes {stable_mosaic.version = 14 : i64} {
  func.func @_gather(%arg0: i32, %arg1: i32, %arg2: memref<8192x1024xf32, #tpu.memory_space<hbm>>, %arg3: memref<16384xi32, #tpu.memory_space<hbm>>, %arg4: memref<16384x1024xf32, #tpu.memory_space<hbm>>, %arg5: memref<512xi32, #tpu.memory_space<vmem>>, %arg6: memref<32x1024xf32, #tpu.memory_space<vmem>>, %arg7: memref<32x1024xf32, #tpu.memory_space<vmem>>, %arg8: memref<!tpu.dma_semaphore, #tpu.memory_space<semaphore_mem>>, %arg9: memref<!tpu.dma_semaphore, #tpu.memory_space<semaphore_mem>>, %arg10: memref<!tpu.dma_semaphore, #tpu.memory_space<semaphore_mem>>, %arg11: memref<!tpu.dma_semaphore, #tpu.memory_space<semaphore_mem>>) attributes {dimension_semantics = [#tpu.dimension_semantics<core_parallel>, #tpu.dimension_semantics<subcore_parallel>], iteration_bounds = array<i64: 2, 16>, scalar_prefetch = 0 : i64, scratch_operands = 7 : i64, tpu.core_type = #tpu.core_type<sc_vector_subcore>, window_params = [{transform_indices = #map}, {transform_indices = #map1}, {transform_indices = #map}]} {
    %mul3A = arith.constant 2 : i32
    %mul3A_0 = arith.muli %arg1, %mul3A : i32
    %add3A = arith.addi %mul3A_0, %arg0 : i32
    %mul3A_1 = arith.constant 512 : i32
    %mul3A_2 = arith.muli %add3A, %mul3A_1 : i32
    "tpu.region"() ({
      %run_scoped3A = tpu.sem_alloc : memref<!tpu.dma_semaphore, #tpu.memory_space<semaphore_mem>>
      %dma_start3A_321 = tpu.memref_slice %arg3[%mul3A_2] : memref<16384xi32, #tpu.memory_space<hbm>> -> memref<512xi32, #tpu.memory_space<hbm>>
      %dma_start3A_322 = tpu.memref_slice %arg3[%mul3A_2] : memref<16384xi32, #tpu.memory_space<hbm>> -> memref<512xi32, #tpu.memory_space<hbm>>
      tpu.enqueue_dma source(%dma_start3A_322 : memref<512xi32, #tpu.memory_space<hbm>>) target(%arg5 : memref<512xi32, #tpu.memory_space<vmem>>) target_semaphore(%run_scoped3A : memref<!tpu.dma_semaphore, #tpu.memory_space<semaphore_mem>>)
      %dma_wait3A_323 = tpu.memref_slice %arg3[%mul3A_2] : memref<16384xi32, #tpu.memory_space<hbm>> -> memref<512xi32, #tpu.memory_space<hbm>>
      %dma_wait3A_324 = tpu.memref_slice %arg3[%mul3A_2] : memref<16384xi32, #tpu.memory_space<hbm>> -> memref<512xi32, #tpu.memory_space<hbm>>
      tpu.wait_dma2 semaphore(%run_scoped3A : memref<!tpu.dma_semaphore, #tpu.memory_space<semaphore_mem>>) src(%dma_wait3A_324 : memref<512xi32, #tpu.memory_space<hbm>>) dst(%arg5 : memref<512xi32, #tpu.memory_space<vmem>>)
      tpu.yield
    }) : () -> ()
    %dma_start3A = arith.constant 0 : i32
    %dma_start3A_3 = tpu.memref_slice %arg5[%dma_start3A] : memref<512xi32, #tpu.memory_space<vmem>> -> memref<32xi32, #tpu.memory_space<vmem>>
    %dma_start3A_4 = arith.constant 0 : i32
    %dma_start3A_5 = arith.constant 0 : i32
    %dma_start3A_6 = tpu.memref_slice %arg2[%dma_start3A_4, %dma_start3A_5] : memref<8192x1024xf32, #tpu.memory_space<hbm>> -> memref<8192x1024xf32, #tpu.memory_space<hbm>>
    tpu.enqueue_indirect_dma source(%dma_start3A_6 : memref<8192x1024xf32, #tpu.memory_space<hbm>>) target(%arg6 : memref<32x1024xf32, #tpu.memory_space<vmem>>) offsets(%dma_start3A_3 : memref<32xi32, #tpu.memory_space<vmem>>) semaphore(%arg8 : memref<!tpu.dma_semaphore, #tpu.memory_space<semaphore_mem>>)
    %dma_start3A_7 = arith.constant 32 : i32
    %dma_start3A_8 = tpu.memref_slice %arg5[%dma_start3A_7] : memref<512xi32, #tpu.memory_space<vmem>> -> memref<32xi32, #tpu.memory_space<vmem>>
    %dma_start3A_9 = arith.constant 0 : i32
    %dma_start3A_10 = arith.constant 0 : i32
    %dma_start3A_11 = tpu.memref_slice %arg2[%dma_start3A_9, %dma_start3A_10] : memref<8192x1024xf32, #tpu.memory_space<hbm>> -> memref<8192x1024xf32, #tpu.memory_space<hbm>>
    tpu.enqueue_indirect_dma source(%dma_start3A_11 : memref<8192x1024xf32, #tpu.memory_space<hbm>>) target(%arg7 : memref<32x1024xf32, #tpu.memory_space<vmem>>) offsets(%dma_start3A_8 : memref<32xi32, #tpu.memory_space<vmem>>) semaphore(%arg9 : memref<!tpu.dma_semaphore, #tpu.memory_space<semaphore_mem>>)
    %dma_wait3A = arith.constant 0 : i32
    %dma_wait3A_12 = tpu.memref_slice %arg5[%dma_wait3A] : memref<512xi32, #tpu.memory_space<vmem>> -> memref<32xi32, #tpu.memory_space<vmem>>
    %dma_wait3A_13 = arith.constant 0 : i32
    %dma_wait3A_14 = arith.constant 0 : i32
    %dma_wait3A_15 = tpu.memref_slice %arg2[%dma_wait3A_13, %dma_wait3A_14] : memref<8192x1024xf32, #tpu.memory_space<hbm>> -> memref<8192x1024xf32, #tpu.memory_space<hbm>>
    tpu.wait_indirect_dma semaphore(%arg8 : memref<!tpu.dma_semaphore, #tpu.memory_space<semaphore_mem>>) src(%dma_wait3A_15 : memref<8192x1024xf32, #tpu.memory_space<hbm>>) dst(%arg6 : memref<32x1024xf32, #tpu.memory_space<vmem>>)
    %add3A_16 = arith.constant 0 : i32
    %add3A_17 = arith.addi %mul3A_2, %add3A_16 : i32
    %dma_start3A_18 = arith.constant 0 : i32
    %dma_start3A_19 = tpu.memref_slice %arg4[%add3A_17, %dma_start3A_18] : memref<16384x1024xf32, #tpu.memory_space<hbm>> -> memref<32x1024xf32, #tpu.memory_space<hbm>>
    %dma_start3A_20 = arith.constant 0 : i32
    %dma_start3A_21 = tpu.memref_slice %arg4[%add3A_17, %dma_start3A_20] : memref<16384x1024xf32, #tpu.memory_space<hbm>> -> memref<32x1024xf32, #tpu.memory_space<hbm>>
    tpu.enqueue_dma source(%arg6 : memref<32x1024xf32, #tpu.memory_space<vmem>>) target(%dma_start3A_21 : memref<32x1024xf32, #tpu.memory_space<hbm>>) target_semaphore(%arg10 : memref<!tpu.dma_semaphore, #tpu.memory_space<semaphore_mem>>)
    %dma_wait3A_22 = arith.constant 0 : i32
    %dma_wait3A_23 = tpu.memref_slice %arg4[%add3A_17, %dma_wait3A_22] : memref<16384x1024xf32, #tpu.memory_space<hbm>> -> memref<32x1024xf32, #tpu.memory_space<hbm>>
    %dma_wait3A_24 = arith.constant 0 : i32
    %dma_wait3A_25 = tpu.memref_slice %arg4[%add3A_17, %dma_wait3A_24] : memref<16384x1024xf32, #tpu.memory_space<hbm>> -> memref<32x1024xf32, #tpu.memory_space<hbm>>
    tpu.wait_dma2 semaphore(%arg10 : memref<!tpu.dma_semaphore, #tpu.memory_space<semaphore_mem>>) src(%arg6 : memref<32x1024xf32, #tpu.memory_space<vmem>>) dst(%dma_wait3A_25 : memref<32x1024xf32, #tpu.memory_space<hbm>>)
    %dma_start3A_26 = arith.constant 64 : i32
    %dma_start3A_27 = tpu.memref_slice %arg5[%dma_start3A_26] : memref<512xi32, #tpu.memory_space<vmem>> -> memref<32xi32, #tpu.memory_space<vmem>>
    %dma_start3A_28 = arith.constant 0 : i32
    %dma_start3A_29 = arith.constant 0 : i32
    %dma_start3A_30 = tpu.memref_slice %arg2[%dma_start3A_28, %dma_start3A_29] : memref<8192x1024xf32, #tpu.memory_space<hbm>> -> memref<8192x1024xf32, #tpu.memory_space<hbm>>
    tpu.enqueue_indirect_dma source(%dma_start3A_30 : memref<8192x1024xf32, #tpu.memory_space<hbm>>) target(%arg6 : memref<32x1024xf32, #tpu.memory_space<vmem>>) offsets(%dma_start3A_27 : memref<32xi32, #tpu.memory_space<vmem>>) semaphore(%arg8 : memref<!tpu.dma_semaphore, #tpu.memory_space<semaphore_mem>>)
    %dma_wait3A_31 = arith.constant 32 : i32
    %dma_wait3A_32 = tpu.memref_slice %arg5[%dma_wait3A_31] : memref<512xi32, #tpu.memory_space<vmem>> -> memref<32xi32, #tpu.memory_space<vmem>>
    %dma_wait3A_33 = arith.constant 0 : i32
    %dma_wait3A_34 = arith.constant 0 : i32
    %dma_wait3A_35 = tpu.memref_slice %arg2[%dma_wait3A_33, %dma_wait3A_34] : memref<8192x1024xf32, #tpu.memory_space<hbm>> -> memref<8192x1024xf32, #tpu.memory_space<hbm>>
    tpu.wait_indirect_dma semaphore(%arg9 : memref<!tpu.dma_semaphore, #tpu.memory_space<semaphore_mem>>) src(%dma_wait3A_35 : memref<8192x1024xf32, #tpu.memory_space<hbm>>) dst(%arg7 : memref<32x1024xf32, #tpu.memory_space<vmem>>)
    %add3A_36 = arith.constant 32 : i32
    %add3A_37 = arith.addi %mul3A_2, %add3A_36 : i32
    %dma_start3A_38 = arith.constant 0 : i32
    %dma_start3A_39 = tpu.memref_slice %arg4[%add3A_37, %dma_start3A_38] : memref<16384x1024xf32, #tpu.memory_space<hbm>> -> memref<32x1024xf32, #tpu.memory_space<hbm>>
    %dma_start3A_40 = arith.constant 0 : i32
    %dma_start3A_41 = tpu.memref_slice %arg4[%add3A_37, %dma_start3A_40] : memref<16384x1024xf32, #tpu.memory_space<hbm>> -> memref<32x1024xf32, #tpu.memory_space<hbm>>
    tpu.enqueue_dma source(%arg7 : memref<32x1024xf32, #tpu.memory_space<vmem>>) target(%dma_start3A_41 : memref<32x1024xf32, #tpu.memory_space<hbm>>) target_semaphore(%arg11 : memref<!tpu.dma_semaphore, #tpu.memory_space<semaphore_mem>>)
    %dma_wait3A_42 = arith.constant 0 : i32
    %dma_wait3A_43 = tpu.memref_slice %arg4[%add3A_37, %dma_wait3A_42] : memref<16384x1024xf32, #tpu.memory_space<hbm>> -> memref<32x1024xf32, #tpu.memory_space<hbm>>
    %dma_wait3A_44 = arith.constant 0 : i32
    %dma_wait3A_45 = tpu.memref_slice %arg4[%add3A_37, %dma_wait3A_44] : memref<16384x1024xf32, #tpu.memory_space<hbm>> -> memref<32x1024xf32, #tpu.memory_space<hbm>>
    tpu.wait_dma2 semaphore(%arg11 : memref<!tpu.dma_semaphore, #tpu.memory_space<semaphore_mem>>) src(%arg7 : memref<32x1024xf32, #tpu.memory_space<vmem>>) dst(%dma_wait3A_45 : memref<32x1024xf32, #tpu.memory_space<hbm>>)
    %dma_start3A_46 = arith.constant 96 : i32
    %dma_start3A_47 = tpu.memref_slice %arg5[%dma_start3A_46] : memref<512xi32, #tpu.memory_space<vmem>> -> memref<32xi32, #tpu.memory_space<vmem>>
    %dma_start3A_48 = arith.constant 0 : i32
    %dma_start3A_49 = arith.constant 0 : i32
    %dma_start3A_50 = tpu.memref_slice %arg2[%dma_start3A_48, %dma_start3A_49] : memref<8192x1024xf32, #tpu.memory_space<hbm>> -> memref<8192x1024xf32, #tpu.memory_space<hbm>>
    tpu.enqueue_indirect_dma source(%dma_start3A_50 : memref<8192x1024xf32, #tpu.memory_space<hbm>>) target(%arg7 : memref<32x1024xf32, #tpu.memory_space<vmem>>) offsets(%dma_start3A_47 : memref<32xi32, #tpu.memory_space<vmem>>) semaphore(%arg9 : memref<!tpu.dma_semaphore, #tpu.memory_space<semaphore_mem>>)
    %dma_wait3A_51 = arith.constant 64 : i32
    %dma_wait3A_52 = tpu.memref_slice %arg5[%dma_wait3A_51] : memref<512xi32, #tpu.memory_space<vmem>> -> memref<32xi32, #tpu.memory_space<vmem>>
    %dma_wait3A_53 = arith.constant 0 : i32
    %dma_wait3A_54 = arith.constant 0 : i32
    %dma_wait3A_55 = tpu.memref_slice %arg2[%dma_wait3A_53, %dma_wait3A_54] : memref<8192x1024xf32, #tpu.memory_space<hbm>> -> memref<8192x1024xf32, #tpu.memory_space<hbm>>
    tpu.wait_indirect_dma semaphore(%arg8 : memref<!tpu.dma_semaphore, #tpu.memory_space<semaphore_mem>>) src(%dma_wait3A_55 : memref<8192x1024xf32, #tpu.memory_space<hbm>>) dst(%arg6 : memref<32x1024xf32, #tpu.memory_space<vmem>>)
    %add3A_56 = arith.constant 64 : i32
    %add3A_57 = arith.addi %mul3A_2, %add3A_56 : i32
    %dma_start3A_58 = arith.constant 0 : i32
    %dma_start3A_59 = tpu.memref_slice %arg4[%add3A_57, %dma_start3A_58] : memref<16384x1024xf32, #tpu.memory_space<hbm>> -> memref<32x1024xf32, #tpu.memory_space<hbm>>
    %dma_start3A_60 = arith.constant 0 : i32
    %dma_start3A_61 = tpu.memref_slice %arg4[%add3A_57, %dma_start3A_60] : memref<16384x1024xf32, #tpu.memory_space<hbm>> -> memref<32x1024xf32, #tpu.memory_space<hbm>>
    tpu.enqueue_dma source(%arg6 : memref<32x1024xf32, #tpu.memory_space<vmem>>) target(%dma_start3A_61 : memref<32x1024xf32, #tpu.memory_space<hbm>>) target_semaphore(%arg10 : memref<!tpu.dma_semaphore, #tpu.memory_space<semaphore_mem>>)
    %dma_wait3A_62 = arith.constant 0 : i32
    %dma_wait3A_63 = tpu.memref_slice %arg4[%add3A_57, %dma_wait3A_62] : memref<16384x1024xf32, #tpu.memory_space<hbm>> -> memref<32x1024xf32, #tpu.memory_space<hbm>>
    %dma_wait3A_64 = arith.constant 0 : i32
    %dma_wait3A_65 = tpu.memref_slice %arg4[%add3A_57, %dma_wait3A_64] : memref<16384x1024xf32, #tpu.memory_space<hbm>> -> memref<32x1024xf32, #tpu.memory_space<hbm>>
    tpu.wait_dma2 semaphore(%arg10 : memref<!tpu.dma_semaphore, #tpu.memory_space<semaphore_mem>>) src(%arg6 : memref<32x1024xf32, #tpu.memory_space<vmem>>) dst(%dma_wait3A_65 : memref<32x1024xf32, #tpu.memory_space<hbm>>)
    %dma_start3A_66 = arith.constant 128 : i32
    %dma_start3A_67 = tpu.memref_slice %arg5[%dma_start3A_66] : memref<512xi32, #tpu.memory_space<vmem>> -> memref<32xi32, #tpu.memory_space<vmem>>
    %dma_start3A_68 = arith.constant 0 : i32
    %dma_start3A_69 = arith.constant 0 : i32
    %dma_start3A_70 = tpu.memref_slice %arg2[%dma_start3A_68, %dma_start3A_69] : memref<8192x1024xf32, #tpu.memory_space<hbm>> -> memref<8192x1024xf32, #tpu.memory_space<hbm>>
    tpu.enqueue_indirect_dma source(%dma_start3A_70 : memref<8192x1024xf32, #tpu.memory_space<hbm>>) target(%arg6 : memref<32x1024xf32, #tpu.memory_space<vmem>>) offsets(%dma_start3A_67 : memref<32xi32, #tpu.memory_space<vmem>>) semaphore(%arg8 : memref<!tpu.dma_semaphore, #tpu.memory_space<semaphore_mem>>)
    %dma_wait3A_71 = arith.constant 96 : i32
    %dma_wait3A_72 = tpu.memref_slice %arg5[%dma_wait3A_71] : memref<512xi32, #tpu.memory_space<vmem>> -> memref<32xi32, #tpu.memory_space<vmem>>
    %dma_wait3A_73 = arith.constant 0 : i32
    %dma_wait3A_74 = arith.constant 0 : i32
    %dma_wait3A_75 = tpu.memref_slice %arg2[%dma_wait3A_73, %dma_wait3A_74] : memref<8192x1024xf32, #tpu.memory_space<hbm>> -> memref<8192x1024xf32, #tpu.memory_space<hbm>>
    tpu.wait_indirect_dma semaphore(%arg9 : memref<!tpu.dma_semaphore, #tpu.memory_space<semaphore_mem>>) src(%dma_wait3A_75 : memref<8192x1024xf32, #tpu.memory_space<hbm>>) dst(%arg7 : memref<32x1024xf32, #tpu.memory_space<vmem>>)
    %add3A_76 = arith.constant 96 : i32
    %add3A_77 = arith.addi %mul3A_2, %add3A_76 : i32
    %dma_start3A_78 = arith.constant 0 : i32
    %dma_start3A_79 = tpu.memref_slice %arg4[%add3A_77, %dma_start3A_78] : memref<16384x1024xf32, #tpu.memory_space<hbm>> -> memref<32x1024xf32, #tpu.memory_space<hbm>>
    %dma_start3A_80 = arith.constant 0 : i32
    %dma_start3A_81 = tpu.memref_slice %arg4[%add3A_77, %dma_start3A_80] : memref<16384x1024xf32, #tpu.memory_space<hbm>> -> memref<32x1024xf32, #tpu.memory_space<hbm>>
    tpu.enqueue_dma source(%arg7 : memref<32x1024xf32, #tpu.memory_space<vmem>>) target(%dma_start3A_81 : memref<32x1024xf32, #tpu.memory_space<hbm>>) target_semaphore(%arg11 : memref<!tpu.dma_semaphore, #tpu.memory_space<semaphore_mem>>)
    %dma_wait3A_82 = arith.constant 0 : i32
    %dma_wait3A_83 = tpu.memref_slice %arg4[%add3A_77, %dma_wait3A_82] : memref<16384x1024xf32, #tpu.memory_space<hbm>> -> memref<32x1024xf32, #tpu.memory_space<hbm>>
    %dma_wait3A_84 = arith.constant 0 : i32
    %dma_wait3A_85 = tpu.memref_slice %arg4[%add3A_77, %dma_wait3A_84] : memref<16384x1024xf32, #tpu.memory_space<hbm>> -> memref<32x1024xf32, #tpu.memory_space<hbm>>
    tpu.wait_dma2 semaphore(%arg11 : memref<!tpu.dma_semaphore, #tpu.memory_space<semaphore_mem>>) src(%arg7 : memref<32x1024xf32, #tpu.memory_space<vmem>>) dst(%dma_wait3A_85 : memref<32x1024xf32, #tpu.memory_space<hbm>>)
    %dma_start3A_86 = arith.constant 160 : i32
    %dma_start3A_87 = tpu.memref_slice %arg5[%dma_start3A_86] : memref<512xi32, #tpu.memory_space<vmem>> -> memref<32xi32, #tpu.memory_space<vmem>>
    %dma_start3A_88 = arith.constant 0 : i32
    %dma_start3A_89 = arith.constant 0 : i32
    %dma_start3A_90 = tpu.memref_slice %arg2[%dma_start3A_88, %dma_start3A_89] : memref<8192x1024xf32, #tpu.memory_space<hbm>> -> memref<8192x1024xf32, #tpu.memory_space<hbm>>
    tpu.enqueue_indirect_dma source(%dma_start3A_90 : memref<8192x1024xf32, #tpu.memory_space<hbm>>) target(%arg7 : memref<32x1024xf32, #tpu.memory_space<vmem>>) offsets(%dma_start3A_87 : memref<32xi32, #tpu.memory_space<vmem>>) semaphore(%arg9 : memref<!tpu.dma_semaphore, #tpu.memory_space<semaphore_mem>>)
    %dma_wait3A_91 = arith.constant 128 : i32
    %dma_wait3A_92 = tpu.memref_slice %arg5[%dma_wait3A_91] : memref<512xi32, #tpu.memory_space<vmem>> -> memref<32xi32, #tpu.memory_space<vmem>>
    %dma_wait3A_93 = arith.constant 0 : i32
    %dma_wait3A_94 = arith.constant 0 : i32
    %dma_wait3A_95 = tpu.memref_slice %arg2[%dma_wait3A_93, %dma_wait3A_94] : memref<8192x1024xf32, #tpu.memory_space<hbm>> -> memref<8192x1024xf32, #tpu.memory_space<hbm>>
    tpu.wait_indirect_dma semaphore(%arg8 : memref<!tpu.dma_semaphore, #tpu.memory_space<semaphore_mem>>) src(%dma_wait3A_95 : memref<8192x1024xf32, #tpu.memory_space<hbm>>) dst(%arg6 : memref<32x1024xf32, #tpu.memory_space<vmem>>)
    %add3A_96 = arith.constant 128 : i32
    %add3A_97 = arith.addi %mul3A_2, %add3A_96 : i32
    %dma_start3A_98 = arith.constant 0 : i32
    %dma_start3A_99 = tpu.memref_slice %arg4[%add3A_97, %dma_start3A_98] : memref<16384x1024xf32, #tpu.memory_space<hbm>> -> memref<32x1024xf32, #tpu.memory_space<hbm>>
    %dma_start3A_100 = arith.constant 0 : i32
    %dma_start3A_101 = tpu.memref_slice %arg4[%add3A_97, %dma_start3A_100] : memref<16384x1024xf32, #tpu.memory_space<hbm>> -> memref<32x1024xf32, #tpu.memory_space<hbm>>
    tpu.enqueue_dma source(%arg6 : memref<32x1024xf32, #tpu.memory_space<vmem>>) target(%dma_start3A_101 : memref<32x1024xf32, #tpu.memory_space<hbm>>) target_semaphore(%arg10 : memref<!tpu.dma_semaphore, #tpu.memory_space<semaphore_mem>>)
    %dma_wait3A_102 = arith.constant 0 : i32
    %dma_wait3A_103 = tpu.memref_slice %arg4[%add3A_97, %dma_wait3A_102] : memref<16384x1024xf32, #tpu.memory_space<hbm>> -> memref<32x1024xf32, #tpu.memory_space<hbm>>
    %dma_wait3A_104 = arith.constant 0 : i32
    %dma_wait3A_105 = tpu.memref_slice %arg4[%add3A_97, %dma_wait3A_104] : memref<16384x1024xf32, #tpu.memory_space<hbm>> -> memref<32x1024xf32, #tpu.memory_space<hbm>>
    tpu.wait_dma2 semaphore(%arg10 : memref<!tpu.dma_semaphore, #tpu.memory_space<semaphore_mem>>) src(%arg6 : memref<32x1024xf32, #tpu.memory_space<vmem>>) dst(%dma_wait3A_105 : memref<32x1024xf32, #tpu.memory_space<hbm>>)
    %dma_start3A_106 = arith.constant 192 : i32
    %dma_start3A_107 = tpu.memref_slice %arg5[%dma_start3A_106] : memref<512xi32, #tpu.memory_space<vmem>> -> memref<32xi32, #tpu.memory_space<vmem>>
    %dma_start3A_108 = arith.constant 0 : i32
    %dma_start3A_109 = arith.constant 0 : i32
    %dma_start3A_110 = tpu.memref_slice %arg2[%dma_start3A_108, %dma_start3A_109] : memref<8192x1024xf32, #tpu.memory_space<hbm>> -> memref<8192x1024xf32, #tpu.memory_space<hbm>>
    tpu.enqueue_indirect_dma source(%dma_start3A_110 : memref<8192x1024xf32, #tpu.memory_space<hbm>>) target(%arg6 : memref<32x1024xf32, #tpu.memory_space<vmem>>) offsets(%dma_start3A_107 : memref<32xi32, #tpu.memory_space<vmem>>) semaphore(%arg8 : memref<!tpu.dma_semaphore, #tpu.memory_space<semaphore_mem>>)
    %dma_wait3A_111 = arith.constant 160 : i32
    %dma_wait3A_112 = tpu.memref_slice %arg5[%dma_wait3A_111] : memref<512xi32, #tpu.memory_space<vmem>> -> memref<32xi32, #tpu.memory_space<vmem>>
    %dma_wait3A_113 = arith.constant 0 : i32
    %dma_wait3A_114 = arith.constant 0 : i32
    %dma_wait3A_115 = tpu.memref_slice %arg2[%dma_wait3A_113, %dma_wait3A_114] : memref<8192x1024xf32, #tpu.memory_space<hbm>> -> memref<8192x1024xf32, #tpu.memory_space<hbm>>
    tpu.wait_indirect_dma semaphore(%arg9 : memref<!tpu.dma_semaphore, #tpu.memory_space<semaphore_mem>>) src(%dma_wait3A_115 : memref<8192x1024xf32, #tpu.memory_space<hbm>>) dst(%arg7 : memref<32x1024xf32, #tpu.memory_space<vmem>>)
    %add3A_116 = arith.constant 160 : i32
    %add3A_117 = arith.addi %mul3A_2, %add3A_116 : i32
    %dma_start3A_118 = arith.constant 0 : i32
    %dma_start3A_119 = tpu.memref_slice %arg4[%add3A_117, %dma_start3A_118] : memref<16384x1024xf32, #tpu.memory_space<hbm>> -> memref<32x1024xf32, #tpu.memory_space<hbm>>
    %dma_start3A_120 = arith.constant 0 : i32
    %dma_start3A_121 = tpu.memref_slice %arg4[%add3A_117, %dma_start3A_120] : memref<16384x1024xf32, #tpu.memory_space<hbm>> -> memref<32x1024xf32, #tpu.memory_space<hbm>>
    tpu.enqueue_dma source(%arg7 : memref<32x1024xf32, #tpu.memory_space<vmem>>) target(%dma_start3A_121 : memref<32x1024xf32, #tpu.memory_space<hbm>>) target_semaphore(%arg11 : memref<!tpu.dma_semaphore, #tpu.memory_space<semaphore_mem>>)
    %dma_wait3A_122 = arith.constant 0 : i32
    %dma_wait3A_123 = tpu.memref_slice %arg4[%add3A_117, %dma_wait3A_122] : memref<16384x1024xf32, #tpu.memory_space<hbm>> -> memref<32x1024xf32, #tpu.memory_space<hbm>>
    %dma_wait3A_124 = arith.constant 0 : i32
    %dma_wait3A_125 = tpu.memref_slice %arg4[%add3A_117, %dma_wait3A_124] : memref<16384x1024xf32, #tpu.memory_space<hbm>> -> memref<32x1024xf32, #tpu.memory_space<hbm>>
    tpu.wait_dma2 semaphore(%arg11 : memref<!tpu.dma_semaphore, #tpu.memory_space<semaphore_mem>>) src(%arg7 : memref<32x1024xf32, #tpu.memory_space<vmem>>) dst(%dma_wait3A_125 : memref<32x1024xf32, #tpu.memory_space<hbm>>)
    %dma_start3A_126 = arith.constant 224 : i32
    %dma_start3A_127 = tpu.memref_slice %arg5[%dma_start3A_126] : memref<512xi32, #tpu.memory_space<vmem>> -> memref<32xi32, #tpu.memory_space<vmem>>
    %dma_start3A_128 = arith.constant 0 : i32
    %dma_start3A_129 = arith.constant 0 : i32
    %dma_start3A_130 = tpu.memref_slice %arg2[%dma_start3A_128, %dma_start3A_129] : memref<8192x1024xf32, #tpu.memory_space<hbm>> -> memref<8192x1024xf32, #tpu.memory_space<hbm>>
    tpu.enqueue_indirect_dma source(%dma_start3A_130 : memref<8192x1024xf32, #tpu.memory_space<hbm>>) target(%arg7 : memref<32x1024xf32, #tpu.memory_space<vmem>>) offsets(%dma_start3A_127 : memref<32xi32, #tpu.memory_space<vmem>>) semaphore(%arg9 : memref<!tpu.dma_semaphore, #tpu.memory_space<semaphore_mem>>)
    %dma_wait3A_131 = arith.constant 192 : i32
    %dma_wait3A_132 = tpu.memref_slice %arg5[%dma_wait3A_131] : memref<512xi32, #tpu.memory_space<vmem>> -> memref<32xi32, #tpu.memory_space<vmem>>
    %dma_wait3A_133 = arith.constant 0 : i32
    %dma_wait3A_134 = arith.constant 0 : i32
    %dma_wait3A_135 = tpu.memref_slice %arg2[%dma_wait3A_133, %dma_wait3A_134] : memref<8192x1024xf32, #tpu.memory_space<hbm>> -> memref<8192x1024xf32, #tpu.memory_space<hbm>>
    tpu.wait_indirect_dma semaphore(%arg8 : memref<!tpu.dma_semaphore, #tpu.memory_space<semaphore_mem>>) src(%dma_wait3A_135 : memref<8192x1024xf32, #tpu.memory_space<hbm>>) dst(%arg6 : memref<32x1024xf32, #tpu.memory_space<vmem>>)
    %add3A_136 = arith.constant 192 : i32
    %add3A_137 = arith.addi %mul3A_2, %add3A_136 : i32
    %dma_start3A_138 = arith.constant 0 : i32
    %dma_start3A_139 = tpu.memref_slice %arg4[%add3A_137, %dma_start3A_138] : memref<16384x1024xf32, #tpu.memory_space<hbm>> -> memref<32x1024xf32, #tpu.memory_space<hbm>>
    %dma_start3A_140 = arith.constant 0 : i32
    %dma_start3A_141 = tpu.memref_slice %arg4[%add3A_137, %dma_start3A_140] : memref<16384x1024xf32, #tpu.memory_space<hbm>> -> memref<32x1024xf32, #tpu.memory_space<hbm>>
    tpu.enqueue_dma source(%arg6 : memref<32x1024xf32, #tpu.memory_space<vmem>>) target(%dma_start3A_141 : memref<32x1024xf32, #tpu.memory_space<hbm>>) target_semaphore(%arg10 : memref<!tpu.dma_semaphore, #tpu.memory_space<semaphore_mem>>)
    %dma_wait3A_142 = arith.constant 0 : i32
    %dma_wait3A_143 = tpu.memref_slice %arg4[%add3A_137, %dma_wait3A_142] : memref<16384x1024xf32, #tpu.memory_space<hbm>> -> memref<32x1024xf32, #tpu.memory_space<hbm>>
    %dma_wait3A_144 = arith.constant 0 : i32
    %dma_wait3A_145 = tpu.memref_slice %arg4[%add3A_137, %dma_wait3A_144] : memref<16384x1024xf32, #tpu.memory_space<hbm>> -> memref<32x1024xf32, #tpu.memory_space<hbm>>
    tpu.wait_dma2 semaphore(%arg10 : memref<!tpu.dma_semaphore, #tpu.memory_space<semaphore_mem>>) src(%arg6 : memref<32x1024xf32, #tpu.memory_space<vmem>>) dst(%dma_wait3A_145 : memref<32x1024xf32, #tpu.memory_space<hbm>>)
    %dma_start3A_146 = arith.constant 256 : i32
    %dma_start3A_147 = tpu.memref_slice %arg5[%dma_start3A_146] : memref<512xi32, #tpu.memory_space<vmem>> -> memref<32xi32, #tpu.memory_space<vmem>>
    %dma_start3A_148 = arith.constant 0 : i32
    %dma_start3A_149 = arith.constant 0 : i32
    %dma_start3A_150 = tpu.memref_slice %arg2[%dma_start3A_148, %dma_start3A_149] : memref<8192x1024xf32, #tpu.memory_space<hbm>> -> memref<8192x1024xf32, #tpu.memory_space<hbm>>
    tpu.enqueue_indirect_dma source(%dma_start3A_150 : memref<8192x1024xf32, #tpu.memory_space<hbm>>) target(%arg6 : memref<32x1024xf32, #tpu.memory_space<vmem>>) offsets(%dma_start3A_147 : memref<32xi32, #tpu.memory_space<vmem>>) semaphore(%arg8 : memref<!tpu.dma_semaphore, #tpu.memory_space<semaphore_mem>>)
    %dma_wait3A_151 = arith.constant 224 : i32
    %dma_wait3A_152 = tpu.memref_slice %arg5[%dma_wait3A_151] : memref<512xi32, #tpu.memory_space<vmem>> -> memref<32xi32, #tpu.memory_space<vmem>>
    %dma_wait3A_153 = arith.constant 0 : i32
    %dma_wait3A_154 = arith.constant 0 : i32
    %dma_wait3A_155 = tpu.memref_slice %arg2[%dma_wait3A_153, %dma_wait3A_154] : memref<8192x1024xf32, #tpu.memory_space<hbm>> -> memref<8192x1024xf32, #tpu.memory_space<hbm>>
    tpu.wait_indirect_dma semaphore(%arg9 : memref<!tpu.dma_semaphore, #tpu.memory_space<semaphore_mem>>) src(%dma_wait3A_155 : memref<8192x1024xf32, #tpu.memory_space<hbm>>) dst(%arg7 : memref<32x1024xf32, #tpu.memory_space<vmem>>)
    %add3A_156 = arith.constant 224 : i32
    %add3A_157 = arith.addi %mul3A_2, %add3A_156 : i32
    %dma_start3A_158 = arith.constant 0 : i32
    %dma_start3A_159 = tpu.memref_slice %arg4[%add3A_157, %dma_start3A_158] : memref<16384x1024xf32, #tpu.memory_space<hbm>> -> memref<32x1024xf32, #tpu.memory_space<hbm>>
    %dma_start3A_160 = arith.constant 0 : i32
    %dma_start3A_161 = tpu.memref_slice %arg4[%add3A_157, %dma_start3A_160] : memref<16384x1024xf32, #tpu.memory_space<hbm>> -> memref<32x1024xf32, #tpu.memory_space<hbm>>
    tpu.enqueue_dma source(%arg7 : memref<32x1024xf32, #tpu.memory_space<vmem>>) target(%dma_start3A_161 : memref<32x1024xf32, #tpu.memory_space<hbm>>) target_semaphore(%arg11 : memref<!tpu.dma_semaphore, #tpu.memory_space<semaphore_mem>>)
    %dma_wait3A_162 = arith.constant 0 : i32
    %dma_wait3A_163 = tpu.memref_slice %arg4[%add3A_157, %dma_wait3A_162] : memref<16384x1024xf32, #tpu.memory_space<hbm>> -> memref<32x1024xf32, #tpu.memory_space<hbm>>
    %dma_wait3A_164 = arith.constant 0 : i32
    %dma_wait3A_165 = tpu.memref_slice %arg4[%add3A_157, %dma_wait3A_164] : memref<16384x1024xf32, #tpu.memory_space<hbm>> -> memref<32x1024xf32, #tpu.memory_space<hbm>>
    tpu.wait_dma2 semaphore(%arg11 : memref<!tpu.dma_semaphore, #tpu.memory_space<semaphore_mem>>) src(%arg7 : memref<32x1024xf32, #tpu.memory_space<vmem>>) dst(%dma_wait3A_165 : memref<32x1024xf32, #tpu.memory_space<hbm>>)
    %dma_start3A_166 = arith.constant 288 : i32
    %dma_start3A_167 = tpu.memref_slice %arg5[%dma_start3A_166] : memref<512xi32, #tpu.memory_space<vmem>> -> memref<32xi32, #tpu.memory_space<vmem>>
    %dma_start3A_168 = arith.constant 0 : i32
    %dma_start3A_169 = arith.constant 0 : i32
    %dma_start3A_170 = tpu.memref_slice %arg2[%dma_start3A_168, %dma_start3A_169] : memref<8192x1024xf32, #tpu.memory_space<hbm>> -> memref<8192x1024xf32, #tpu.memory_space<hbm>>
    tpu.enqueue_indirect_dma source(%dma_start3A_170 : memref<8192x1024xf32, #tpu.memory_space<hbm>>) target(%arg7 : memref<32x1024xf32, #tpu.memory_space<vmem>>) offsets(%dma_start3A_167 : memref<32xi32, #tpu.memory_space<vmem>>) semaphore(%arg9 : memref<!tpu.dma_semaphore, #tpu.memory_space<semaphore_mem>>)
    %dma_wait3A_171 = arith.constant 256 : i32
    %dma_wait3A_172 = tpu.memref_slice %arg5[%dma_wait3A_171] : memref<512xi32, #tpu.memory_space<vmem>> -> memref<32xi32, #tpu.memory_space<vmem>>
    %dma_wait3A_173 = arith.constant 0 : i32
    %dma_wait3A_174 = arith.constant 0 : i32
    %dma_wait3A_175 = tpu.memref_slice %arg2[%dma_wait3A_173, %dma_wait3A_174] : memref<8192x1024xf32, #tpu.memory_space<hbm>> -> memref<8192x1024xf32, #tpu.memory_space<hbm>>
    tpu.wait_indirect_dma semaphore(%arg8 : memref<!tpu.dma_semaphore, #tpu.memory_space<semaphore_mem>>) src(%dma_wait3A_175 : memref<8192x1024xf32, #tpu.memory_space<hbm>>) dst(%arg6 : memref<32x1024xf32, #tpu.memory_space<vmem>>)
    %add3A_176 = arith.constant 256 : i32
    %add3A_177 = arith.addi %mul3A_2, %add3A_176 : i32
    %dma_start3A_178 = arith.constant 0 : i32
    %dma_start3A_179 = tpu.memref_slice %arg4[%add3A_177, %dma_start3A_178] : memref<16384x1024xf32, #tpu.memory_space<hbm>> -> memref<32x1024xf32, #tpu.memory_space<hbm>>
    %dma_start3A_180 = arith.constant 0 : i32
    %dma_start3A_181 = tpu.memref_slice %arg4[%add3A_177, %dma_start3A_180] : memref<16384x1024xf32, #tpu.memory_space<hbm>> -> memref<32x1024xf32, #tpu.memory_space<hbm>>
    tpu.enqueue_dma source(%arg6 : memref<32x1024xf32, #tpu.memory_space<vmem>>) target(%dma_start3A_181 : memref<32x1024xf32, #tpu.memory_space<hbm>>) target_semaphore(%arg10 : memref<!tpu.dma_semaphore, #tpu.memory_space<semaphore_mem>>)
    %dma_wait3A_182 = arith.constant 0 : i32
    %dma_wait3A_183 = tpu.memref_slice %arg4[%add3A_177, %dma_wait3A_182] : memref<16384x1024xf32, #tpu.memory_space<hbm>> -> memref<32x1024xf32, #tpu.memory_space<hbm>>
    %dma_wait3A_184 = arith.constant 0 : i32
    %dma_wait3A_185 = tpu.memref_slice %arg4[%add3A_177, %dma_wait3A_184] : memref<16384x1024xf32, #tpu.memory_space<hbm>> -> memref<32x1024xf32, #tpu.memory_space<hbm>>
    tpu.wait_dma2 semaphore(%arg10 : memref<!tpu.dma_semaphore, #tpu.memory_space<semaphore_mem>>) src(%arg6 : memref<32x1024xf32, #tpu.memory_space<vmem>>) dst(%dma_wait3A_185 : memref<32x1024xf32, #tpu.memory_space<hbm>>)
    %dma_start3A_186 = arith.constant 320 : i32
    %dma_start3A_187 = tpu.memref_slice %arg5[%dma_start3A_186] : memref<512xi32, #tpu.memory_space<vmem>> -> memref<32xi32, #tpu.memory_space<vmem>>
    %dma_start3A_188 = arith.constant 0 : i32
    %dma_start3A_189 = arith.constant 0 : i32
    %dma_start3A_190 = tpu.memref_slice %arg2[%dma_start3A_188, %dma_start3A_189] : memref<8192x1024xf32, #tpu.memory_space<hbm>> -> memref<8192x1024xf32, #tpu.memory_space<hbm>>
    tpu.enqueue_indirect_dma source(%dma_start3A_190 : memref<8192x1024xf32, #tpu.memory_space<hbm>>) target(%arg6 : memref<32x1024xf32, #tpu.memory_space<vmem>>) offsets(%dma_start3A_187 : memref<32xi32, #tpu.memory_space<vmem>>) semaphore(%arg8 : memref<!tpu.dma_semaphore, #tpu.memory_space<semaphore_mem>>)
    %dma_wait3A_191 = arith.constant 288 : i32
    %dma_wait3A_192 = tpu.memref_slice %arg5[%dma_wait3A_191] : memref<512xi32, #tpu.memory_space<vmem>> -> memref<32xi32, #tpu.memory_space<vmem>>
    %dma_wait3A_193 = arith.constant 0 : i32
    %dma_wait3A_194 = arith.constant 0 : i32
    %dma_wait3A_195 = tpu.memref_slice %arg2[%dma_wait3A_193, %dma_wait3A_194] : memref<8192x1024xf32, #tpu.memory_space<hbm>> -> memref<8192x1024xf32, #tpu.memory_space<hbm>>
    tpu.wait_indirect_dma semaphore(%arg9 : memref<!tpu.dma_semaphore, #tpu.memory_space<semaphore_mem>>) src(%dma_wait3A_195 : memref<8192x1024xf32, #tpu.memory_space<hbm>>) dst(%arg7 : memref<32x1024xf32, #tpu.memory_space<vmem>>)
    %add3A_196 = arith.constant 288 : i32
    %add3A_197 = arith.addi %mul3A_2, %add3A_196 : i32
    %dma_start3A_198 = arith.constant 0 : i32
    %dma_start3A_199 = tpu.memref_slice %arg4[%add3A_197, %dma_start3A_198] : memref<16384x1024xf32, #tpu.memory_space<hbm>> -> memref<32x1024xf32, #tpu.memory_space<hbm>>
    %dma_start3A_200 = arith.constant 0 : i32
    %dma_start3A_201 = tpu.memref_slice %arg4[%add3A_197, %dma_start3A_200] : memref<16384x1024xf32, #tpu.memory_space<hbm>> -> memref<32x1024xf32, #tpu.memory_space<hbm>>
    tpu.enqueue_dma source(%arg7 : memref<32x1024xf32, #tpu.memory_space<vmem>>) target(%dma_start3A_201 : memref<32x1024xf32, #tpu.memory_space<hbm>>) target_semaphore(%arg11 : memref<!tpu.dma_semaphore, #tpu.memory_space<semaphore_mem>>)
    %dma_wait3A_202 = arith.constant 0 : i32
    %dma_wait3A_203 = tpu.memref_slice %arg4[%add3A_197, %dma_wait3A_202] : memref<16384x1024xf32, #tpu.memory_space<hbm>> -> memref<32x1024xf32, #tpu.memory_space<hbm>>
    %dma_wait3A_204 = arith.constant 0 : i32
    %dma_wait3A_205 = tpu.memref_slice %arg4[%add3A_197, %dma_wait3A_204] : memref<16384x1024xf32, #tpu.memory_space<hbm>> -> memref<32x1024xf32, #tpu.memory_space<hbm>>
    tpu.wait_dma2 semaphore(%arg11 : memref<!tpu.dma_semaphore, #tpu.memory_space<semaphore_mem>>) src(%arg7 : memref<32x1024xf32, #tpu.memory_space<vmem>>) dst(%dma_wait3A_205 : memref<32x1024xf32, #tpu.memory_space<hbm>>)
    %dma_start3A_206 = arith.constant 352 : i32
    %dma_start3A_207 = tpu.memref_slice %arg5[%dma_start3A_206] : memref<512xi32, #tpu.memory_space<vmem>> -> memref<32xi32, #tpu.memory_space<vmem>>
    %dma_start3A_208 = arith.constant 0 : i32
    %dma_start3A_209 = arith.constant 0 : i32
    %dma_start3A_210 = tpu.memref_slice %arg2[%dma_start3A_208, %dma_start3A_209] : memref<8192x1024xf32, #tpu.memory_space<hbm>> -> memref<8192x1024xf32, #tpu.memory_space<hbm>>
    tpu.enqueue_indirect_dma source(%dma_start3A_210 : memref<8192x1024xf32, #tpu.memory_space<hbm>>) target(%arg7 : memref<32x1024xf32, #tpu.memory_space<vmem>>) offsets(%dma_start3A_207 : memref<32xi32, #tpu.memory_space<vmem>>) semaphore(%arg9 : memref<!tpu.dma_semaphore, #tpu.memory_space<semaphore_mem>>)
    %dma_wait3A_211 = arith.constant 320 : i32
    %dma_wait3A_212 = tpu.memref_slice %arg5[%dma_wait3A_211] : memref<512xi32, #tpu.memory_space<vmem>> -> memref<32xi32, #tpu.memory_space<vmem>>
    %dma_wait3A_213 = arith.constant 0 : i32
    %dma_wait3A_214 = arith.constant 0 : i32
    %dma_wait3A_215 = tpu.memref_slice %arg2[%dma_wait3A_213, %dma_wait3A_214] : memref<8192x1024xf32, #tpu.memory_space<hbm>> -> memref<8192x1024xf32, #tpu.memory_space<hbm>>
    tpu.wait_indirect_dma semaphore(%arg8 : memref<!tpu.dma_semaphore, #tpu.memory_space<semaphore_mem>>) src(%dma_wait3A_215 : memref<8192x1024xf32, #tpu.memory_space<hbm>>) dst(%arg6 : memref<32x1024xf32, #tpu.memory_space<vmem>>)
    %add3A_216 = arith.constant 320 : i32
    %add3A_217 = arith.addi %mul3A_2, %add3A_216 : i32
    %dma_start3A_218 = arith.constant 0 : i32
    %dma_start3A_219 = tpu.memref_slice %arg4[%add3A_217, %dma_start3A_218] : memref<16384x1024xf32, #tpu.memory_space<hbm>> -> memref<32x1024xf32, #tpu.memory_space<hbm>>
    %dma_start3A_220 = arith.constant 0 : i32
    %dma_start3A_221 = tpu.memref_slice %arg4[%add3A_217, %dma_start3A_220] : memref<16384x1024xf32, #tpu.memory_space<hbm>> -> memref<32x1024xf32, #tpu.memory_space<hbm>>
    tpu.enqueue_dma source(%arg6 : memref<32x1024xf32, #tpu.memory_space<vmem>>) target(%dma_start3A_221 : memref<32x1024xf32, #tpu.memory_space<hbm>>) target_semaphore(%arg10 : memref<!tpu.dma_semaphore, #tpu.memory_space<semaphore_mem>>)
    %dma_wait3A_222 = arith.constant 0 : i32
    %dma_wait3A_223 = tpu.memref_slice %arg4[%add3A_217, %dma_wait3A_222] : memref<16384x1024xf32, #tpu.memory_space<hbm>> -> memref<32x1024xf32, #tpu.memory_space<hbm>>
    %dma_wait3A_224 = arith.constant 0 : i32
    %dma_wait3A_225 = tpu.memref_slice %arg4[%add3A_217, %dma_wait3A_224] : memref<16384x1024xf32, #tpu.memory_space<hbm>> -> memref<32x1024xf32, #tpu.memory_space<hbm>>
    tpu.wait_dma2 semaphore(%arg10 : memref<!tpu.dma_semaphore, #tpu.memory_space<semaphore_mem>>) src(%arg6 : memref<32x1024xf32, #tpu.memory_space<vmem>>) dst(%dma_wait3A_225 : memref<32x1024xf32, #tpu.memory_space<hbm>>)
    %dma_start3A_226 = arith.constant 384 : i32
    %dma_start3A_227 = tpu.memref_slice %arg5[%dma_start3A_226] : memref<512xi32, #tpu.memory_space<vmem>> -> memref<32xi32, #tpu.memory_space<vmem>>
    %dma_start3A_228 = arith.constant 0 : i32
    %dma_start3A_229 = arith.constant 0 : i32
    %dma_start3A_230 = tpu.memref_slice %arg2[%dma_start3A_228, %dma_start3A_229] : memref<8192x1024xf32, #tpu.memory_space<hbm>> -> memref<8192x1024xf32, #tpu.memory_space<hbm>>
    tpu.enqueue_indirect_dma source(%dma_start3A_230 : memref<8192x1024xf32, #tpu.memory_space<hbm>>) target(%arg6 : memref<32x1024xf32, #tpu.memory_space<vmem>>) offsets(%dma_start3A_227 : memref<32xi32, #tpu.memory_space<vmem>>) semaphore(%arg8 : memref<!tpu.dma_semaphore, #tpu.memory_space<semaphore_mem>>)
    %dma_wait3A_231 = arith.constant 352 : i32
    %dma_wait3A_232 = tpu.memref_slice %arg5[%dma_wait3A_231] : memref<512xi32, #tpu.memory_space<vmem>> -> memref<32xi32, #tpu.memory_space<vmem>>
    %dma_wait3A_233 = arith.constant 0 : i32
    %dma_wait3A_234 = arith.constant 0 : i32
    %dma_wait3A_235 = tpu.memref_slice %arg2[%dma_wait3A_233, %dma_wait3A_234] : memref<8192x1024xf32, #tpu.memory_space<hbm>> -> memref<8192x1024xf32, #tpu.memory_space<hbm>>
    tpu.wait_indirect_dma semaphore(%arg9 : memref<!tpu.dma_semaphore, #tpu.memory_space<semaphore_mem>>) src(%dma_wait3A_235 : memref<8192x1024xf32, #tpu.memory_space<hbm>>) dst(%arg7 : memref<32x1024xf32, #tpu.memory_space<vmem>>)
    %add3A_236 = arith.constant 352 : i32
    %add3A_237 = arith.addi %mul3A_2, %add3A_236 : i32
    %dma_start3A_238 = arith.constant 0 : i32
    %dma_start3A_239 = tpu.memref_slice %arg4[%add3A_237, %dma_start3A_238] : memref<16384x1024xf32, #tpu.memory_space<hbm>> -> memref<32x1024xf32, #tpu.memory_space<hbm>>
    %dma_start3A_240 = arith.constant 0 : i32
    %dma_start3A_241 = tpu.memref_slice %arg4[%add3A_237, %dma_start3A_240] : memref<16384x1024xf32, #tpu.memory_space<hbm>> -> memref<32x1024xf32, #tpu.memory_space<hbm>>
    tpu.enqueue_dma source(%arg7 : memref<32x1024xf32, #tpu.memory_space<vmem>>) target(%dma_start3A_241 : memref<32x1024xf32, #tpu.memory_space<hbm>>) target_semaphore(%arg11 : memref<!tpu.dma_semaphore, #tpu.memory_space<semaphore_mem>>)
    %dma_wait3A_242 = arith.constant 0 : i32
    %dma_wait3A_243 = tpu.memref_slice %arg4[%add3A_237, %dma_wait3A_242] : memref<16384x1024xf32, #tpu.memory_space<hbm>> -> memref<32x1024xf32, #tpu.memory_space<hbm>>
    %dma_wait3A_244 = arith.constant 0 : i32
    %dma_wait3A_245 = tpu.memref_slice %arg4[%add3A_237, %dma_wait3A_244] : memref<16384x1024xf32, #tpu.memory_space<hbm>> -> memref<32x1024xf32, #tpu.memory_space<hbm>>
    tpu.wait_dma2 semaphore(%arg11 : memref<!tpu.dma_semaphore, #tpu.memory_space<semaphore_mem>>) src(%arg7 : memref<32x1024xf32, #tpu.memory_space<vmem>>) dst(%dma_wait3A_245 : memref<32x1024xf32, #tpu.memory_space<hbm>>)
    %dma_start3A_246 = arith.constant 416 : i32
    %dma_start3A_247 = tpu.memref_slice %arg5[%dma_start3A_246] : memref<512xi32, #tpu.memory_space<vmem>> -> memref<32xi32, #tpu.memory_space<vmem>>
    %dma_start3A_248 = arith.constant 0 : i32
    %dma_start3A_249 = arith.constant 0 : i32
    %dma_start3A_250 = tpu.memref_slice %arg2[%dma_start3A_248, %dma_start3A_249] : memref<8192x1024xf32, #tpu.memory_space<hbm>> -> memref<8192x1024xf32, #tpu.memory_space<hbm>>
    tpu.enqueue_indirect_dma source(%dma_start3A_250 : memref<8192x1024xf32, #tpu.memory_space<hbm>>) target(%arg7 : memref<32x1024xf32, #tpu.memory_space<vmem>>) offsets(%dma_start3A_247 : memref<32xi32, #tpu.memory_space<vmem>>) semaphore(%arg9 : memref<!tpu.dma_semaphore, #tpu.memory_space<semaphore_mem>>)
    %dma_wait3A_251 = arith.constant 384 : i32
    %dma_wait3A_252 = tpu.memref_slice %arg5[%dma_wait3A_251] : memref<512xi32, #tpu.memory_space<vmem>> -> memref<32xi32, #tpu.memory_space<vmem>>
    %dma_wait3A_253 = arith.constant 0 : i32
    %dma_wait3A_254 = arith.constant 0 : i32
    %dma_wait3A_255 = tpu.memref_slice %arg2[%dma_wait3A_253, %dma_wait3A_254] : memref<8192x1024xf32, #tpu.memory_space<hbm>> -> memref<8192x1024xf32, #tpu.memory_space<hbm>>
    tpu.wait_indirect_dma semaphore(%arg8 : memref<!tpu.dma_semaphore, #tpu.memory_space<semaphore_mem>>) src(%dma_wait3A_255 : memref<8192x1024xf32, #tpu.memory_space<hbm>>) dst(%arg6 : memref<32x1024xf32, #tpu.memory_space<vmem>>)
    %add3A_256 = arith.constant 384 : i32
    %add3A_257 = arith.addi %mul3A_2, %add3A_256 : i32
    %dma_start3A_258 = arith.constant 0 : i32
    %dma_start3A_259 = tpu.memref_slice %arg4[%add3A_257, %dma_start3A_258] : memref<16384x1024xf32, #tpu.memory_space<hbm>> -> memref<32x1024xf32, #tpu.memory_space<hbm>>
    %dma_start3A_260 = arith.constant 0 : i32
    %dma_start3A_261 = tpu.memref_slice %arg4[%add3A_257, %dma_start3A_260] : memref<16384x1024xf32, #tpu.memory_space<hbm>> -> memref<32x1024xf32, #tpu.memory_space<hbm>>
    tpu.enqueue_dma source(%arg6 : memref<32x1024xf32, #tpu.memory_space<vmem>>) target(%dma_start3A_261 : memref<32x1024xf32, #tpu.memory_space<hbm>>) target_semaphore(%arg10 : memref<!tpu.dma_semaphore, #tpu.memory_space<semaphore_mem>>)
    %dma_wait3A_262 = arith.constant 0 : i32
    %dma_wait3A_263 = tpu.memref_slice %arg4[%add3A_257, %dma_wait3A_262] : memref<16384x1024xf32, #tpu.memory_space<hbm>> -> memref<32x1024xf32, #tpu.memory_space<hbm>>
    %dma_wait3A_264 = arith.constant 0 : i32
    %dma_wait3A_265 = tpu.memref_slice %arg4[%add3A_257, %dma_wait3A_264] : memref<16384x1024xf32, #tpu.memory_space<hbm>> -> memref<32x1024xf32, #tpu.memory_space<hbm>>
    tpu.wait_dma2 semaphore(%arg10 : memref<!tpu.dma_semaphore, #tpu.memory_space<semaphore_mem>>) src(%arg6 : memref<32x1024xf32, #tpu.memory_space<vmem>>) dst(%dma_wait3A_265 : memref<32x1024xf32, #tpu.memory_space<hbm>>)
    %dma_start3A_266 = arith.constant 448 : i32
    %dma_start3A_267 = tpu.memref_slice %arg5[%dma_start3A_266] : memref<512xi32, #tpu.memory_space<vmem>> -> memref<32xi32, #tpu.memory_space<vmem>>
    %dma_start3A_268 = arith.constant 0 : i32
    %dma_start3A_269 = arith.constant 0 : i32
    %dma_start3A_270 = tpu.memref_slice %arg2[%dma_start3A_268, %dma_start3A_269] : memref<8192x1024xf32, #tpu.memory_space<hbm>> -> memref<8192x1024xf32, #tpu.memory_space<hbm>>
    tpu.enqueue_indirect_dma source(%dma_start3A_270 : memref<8192x1024xf32, #tpu.memory_space<hbm>>) target(%arg6 : memref<32x1024xf32, #tpu.memory_space<vmem>>) offsets(%dma_start3A_267 : memref<32xi32, #tpu.memory_space<vmem>>) semaphore(%arg8 : memref<!tpu.dma_semaphore, #tpu.memory_space<semaphore_mem>>)
    %dma_wait3A_271 = arith.constant 416 : i32
    %dma_wait3A_272 = tpu.memref_slice %arg5[%dma_wait3A_271] : memref<512xi32, #tpu.memory_space<vmem>> -> memref<32xi32, #tpu.memory_space<vmem>>
    %dma_wait3A_273 = arith.constant 0 : i32
    %dma_wait3A_274 = arith.constant 0 : i32
    %dma_wait3A_275 = tpu.memref_slice %arg2[%dma_wait3A_273, %dma_wait3A_274] : memref<8192x1024xf32, #tpu.memory_space<hbm>> -> memref<8192x1024xf32, #tpu.memory_space<hbm>>
    tpu.wait_indirect_dma semaphore(%arg9 : memref<!tpu.dma_semaphore, #tpu.memory_space<semaphore_mem>>) src(%dma_wait3A_275 : memref<8192x1024xf32, #tpu.memory_space<hbm>>) dst(%arg7 : memref<32x1024xf32, #tpu.memory_space<vmem>>)
    %add3A_276 = arith.constant 416 : i32
    %add3A_277 = arith.addi %mul3A_2, %add3A_276 : i32
    %dma_start3A_278 = arith.constant 0 : i32
    %dma_start3A_279 = tpu.memref_slice %arg4[%add3A_277, %dma_start3A_278] : memref<16384x1024xf32, #tpu.memory_space<hbm>> -> memref<32x1024xf32, #tpu.memory_space<hbm>>
    %dma_start3A_280 = arith.constant 0 : i32
    %dma_start3A_281 = tpu.memref_slice %arg4[%add3A_277, %dma_start3A_280] : memref<16384x1024xf32, #tpu.memory_space<hbm>> -> memref<32x1024xf32, #tpu.memory_space<hbm>>
    tpu.enqueue_dma source(%arg7 : memref<32x1024xf32, #tpu.memory_space<vmem>>) target(%dma_start3A_281 : memref<32x1024xf32, #tpu.memory_space<hbm>>) target_semaphore(%arg11 : memref<!tpu.dma_semaphore, #tpu.memory_space<semaphore_mem>>)
    %dma_wait3A_282 = arith.constant 0 : i32
    %dma_wait3A_283 = tpu.memref_slice %arg4[%add3A_277, %dma_wait3A_282] : memref<16384x1024xf32, #tpu.memory_space<hbm>> -> memref<32x1024xf32, #tpu.memory_space<hbm>>
    %dma_wait3A_284 = arith.constant 0 : i32
    %dma_wait3A_285 = tpu.memref_slice %arg4[%add3A_277, %dma_wait3A_284] : memref<16384x1024xf32, #tpu.memory_space<hbm>> -> memref<32x1024xf32, #tpu.memory_space<hbm>>
    tpu.wait_dma2 semaphore(%arg11 : memref<!tpu.dma_semaphore, #tpu.memory_space<semaphore_mem>>) src(%arg7 : memref<32x1024xf32, #tpu.memory_space<vmem>>) dst(%dma_wait3A_285 : memref<32x1024xf32, #tpu.memory_space<hbm>>)
    %dma_start3A_286 = arith.constant 480 : i32
    %dma_start3A_287 = tpu.memref_slice %arg5[%dma_start3A_286] : memref<512xi32, #tpu.memory_space<vmem>> -> memref<32xi32, #tpu.memory_space<vmem>>
    %dma_start3A_288 = arith.constant 0 : i32
    %dma_start3A_289 = arith.constant 0 : i32
    %dma_start3A_290 = tpu.memref_slice %arg2[%dma_start3A_288, %dma_start3A_289] : memref<8192x1024xf32, #tpu.memory_space<hbm>> -> memref<8192x1024xf32, #tpu.memory_space<hbm>>
    tpu.enqueue_indirect_dma source(%dma_start3A_290 : memref<8192x1024xf32, #tpu.memory_space<hbm>>) target(%arg7 : memref<32x1024xf32, #tpu.memory_space<vmem>>) offsets(%dma_start3A_287 : memref<32xi32, #tpu.memory_space<vmem>>) semaphore(%arg9 : memref<!tpu.dma_semaphore, #tpu.memory_space<semaphore_mem>>)
    %dma_wait3A_291 = arith.constant 448 : i32
    %dma_wait3A_292 = tpu.memref_slice %arg5[%dma_wait3A_291] : memref<512xi32, #tpu.memory_space<vmem>> -> memref<32xi32, #tpu.memory_space<vmem>>
    %dma_wait3A_293 = arith.constant 0 : i32
    %dma_wait3A_294 = arith.constant 0 : i32
    %dma_wait3A_295 = tpu.memref_slice %arg2[%dma_wait3A_293, %dma_wait3A_294] : memref<8192x1024xf32, #tpu.memory_space<hbm>> -> memref<8192x1024xf32, #tpu.memory_space<hbm>>
    tpu.wait_indirect_dma semaphore(%arg8 : memref<!tpu.dma_semaphore, #tpu.memory_space<semaphore_mem>>) src(%dma_wait3A_295 : memref<8192x1024xf32, #tpu.memory_space<hbm>>) dst(%arg6 : memref<32x1024xf32, #tpu.memory_space<vmem>>)
    %add3A_296 = arith.constant 448 : i32
    %add3A_297 = arith.addi %mul3A_2, %add3A_296 : i32
    %dma_start3A_298 = arith.constant 0 : i32
    %dma_start3A_299 = tpu.memref_slice %arg4[%add3A_297, %dma_start3A_298] : memref<16384x1024xf32, #tpu.memory_space<hbm>> -> memref<32x1024xf32, #tpu.memory_space<hbm>>
    %dma_start3A_300 = arith.constant 0 : i32
    %dma_start3A_301 = tpu.memref_slice %arg4[%add3A_297, %dma_start3A_300] : memref<16384x1024xf32, #tpu.memory_space<hbm>> -> memref<32x1024xf32, #tpu.memory_space<hbm>>
    tpu.enqueue_dma source(%arg6 : memref<32x1024xf32, #tpu.memory_space<vmem>>) target(%dma_start3A_301 : memref<32x1024xf32, #tpu.memory_space<hbm>>) target_semaphore(%arg10 : memref<!tpu.dma_semaphore, #tpu.memory_space<semaphore_mem>>)
    %dma_wait3A_302 = arith.constant 480 : i32
    %dma_wait3A_303 = tpu.memref_slice %arg5[%dma_wait3A_302] : memref<512xi32, #tpu.memory_space<vmem>> -> memref<32xi32, #tpu.memory_space<vmem>>
    %dma_wait3A_304 = arith.constant 0 : i32
    %dma_wait3A_305 = arith.constant 0 : i32
    %dma_wait3A_306 = tpu.memref_slice %arg2[%dma_wait3A_304, %dma_wait3A_305] : memref<8192x1024xf32, #tpu.memory_space<hbm>> -> memref<8192x1024xf32, #tpu.memory_space<hbm>>
    tpu.wait_indirect_dma semaphore(%arg9 : memref<!tpu.dma_semaphore, #tpu.memory_space<semaphore_mem>>) src(%dma_wait3A_306 : memref<8192x1024xf32, #tpu.memory_space<hbm>>) dst(%arg7 : memref<32x1024xf32, #tpu.memory_space<vmem>>)
    %add3A_307 = arith.constant 480 : i32
    %add3A_308 = arith.addi %mul3A_2, %add3A_307 : i32
    %dma_start3A_309 = arith.constant 0 : i32
    %dma_start3A_310 = tpu.memref_slice %arg4[%add3A_308, %dma_start3A_309] : memref<16384x1024xf32, #tpu.memory_space<hbm>> -> memref<32x1024xf32, #tpu.memory_space<hbm>>
    %dma_start3A_311 = arith.constant 0 : i32
    %dma_start3A_312 = tpu.memref_slice %arg4[%add3A_308, %dma_start3A_311] : memref<16384x1024xf32, #tpu.memory_space<hbm>> -> memref<32x1024xf32, #tpu.memory_space<hbm>>
    tpu.enqueue_dma source(%arg7 : memref<32x1024xf32, #tpu.memory_space<vmem>>) target(%dma_start3A_312 : memref<32x1024xf32, #tpu.memory_space<hbm>>) target_semaphore(%arg11 : memref<!tpu.dma_semaphore, #tpu.memory_space<semaphore_mem>>)
    %dma_wait3A_313 = arith.constant 0 : i32
    %dma_wait3A_314 = tpu.memref_slice %arg4[%add3A_297, %dma_wait3A_313] : memref<16384x1024xf32, #tpu.memory_space<hbm>> -> memref<32x1024xf32, #tpu.memory_space<hbm>>
    %dma_wait3A_315 = arith.constant 0 : i32
    %dma_wait3A_316 = tpu.memref_slice %arg4[%add3A_297, %dma_wait3A_315] : memref<16384x1024xf32, #tpu.memory_space<hbm>> -> memref<32x1024xf32, #tpu.memory_space<hbm>>
    tpu.wait_dma2 semaphore(%arg10 : memref<!tpu.dma_semaphore, #tpu.memory_space<semaphore_mem>>) src(%arg6 : memref<32x1024xf32, #tpu.memory_space<vmem>>) dst(%dma_wait3A_316 : memref<32x1024xf32, #tpu.memory_space<hbm>>)
    %dma_wait3A_317 = arith.constant 0 : i32
    %dma_wait3A_318 = tpu.memref_slice %arg4[%add3A_308, %dma_wait3A_317] : memref<16384x1024xf32, #tpu.memory_space<hbm>> -> memref<32x1024xf32, #tpu.memory_space<hbm>>
    %dma_wait3A_319 = arith.constant 0 : i32
    %dma_wait3A_320 = tpu.memref_slice %arg4[%add3A_308, %dma_wait3A_319] : memref<16384x1024xf32, #tpu.memory_space<hbm>> -> memref<32x1024xf32, #tpu.memory_space<hbm>>
    tpu.wait_dma2 semaphore(%arg11 : memref<!tpu.dma_semaphore, #tpu.memory_space<semaphore_mem>>) src(%arg7 : memref<32x1024xf32, #tpu.memory_space<vmem>>) dst(%dma_wait3A_320 : memref<32x1024xf32, #tpu.memory_space<hbm>>)
    return
  }
}

module attributes {stable_mosaic.version = 14 : i64} {
  func.func @_argmax_body(%arg0: i32, %arg1: memref<512x64xf32, #tpu.memory_space<vmem>>, %arg2: memref<8192x64xf32, #tpu.memory_space<vmem>>, %arg3: memref<1000x256xf32, #tpu.memory_space<vmem>>, %arg4: memref<512xi32, #tpu.memory_space<vmem>>, %arg5: memref<256x1024xf32, #tpu.memory_space<vmem>>) attributes {dimension_semantics = [#tpu.dimension_semantics<arbitrary>], iteration_bounds = array<i64: 32>, scalar_prefetch = 0 : i64, scratch_operands = 0 : i64, tpu.core_type = #tpu.core_type<tc>, window_params = [{transform_indices = @transform_0, window_bounds = array<i64: 512, 64>}, {pipeline_mode = #tpu.pipeline_mode<synchronous>, transform_indices = @transform_1, window_bounds = array<i64: 8192, 64>}, {transform_indices = @transform_2, window_bounds = array<i64: 1000, 256>}, {transform_indices = @transform_3, window_bounds = array<i64: 512>}, {transform_indices = @transform_4, window_bounds = array<i64: 256, 1024>}]} {
    %get3A = arith.constant 0 : index
    %get3A_0 = arith.constant 0 : index
    %get3A_1 = vector.load %arg1[%get3A, %get3A_0] : memref<512x64xf32, #tpu.memory_space<vmem>>, vector<512x64xf32>
    %get3A_2 = arith.constant 0 : index
    %get3A_3 = arith.constant 0 : index
    %get3A_4 = vector.load %arg3[%get3A_2, %get3A_3] : memref<1000x256xf32, #tpu.memory_space<vmem>>, vector<1000x256xf32>
    %transpose3A = tpu.transpose %get3A_4, [1, 0] : vector<1000x256xf32> -> vector<256x1000xf32>
    %swap3A = arith.constant 0 : index
    %swap3A_5 = arith.constant 0 : index
    %swap3A_6 = vector.load %arg5[%swap3A, %swap3A_5] : memref<256x1024xf32, #tpu.memory_space<vmem>>, vector<256x1000xf32>
    tpu.vector_store %arg5[%swap3A, %swap3A_5], %transpose3A {strides = array<i32>} : memref<256x1024xf32, #tpu.memory_space<vmem>>, vector<256x1000xf32>,
    %broadcast_in_dim3A = arith.constant 0xFF800000 : f32
    %broadcast_in_dim3A_7 = vector.broadcast %broadcast_in_dim3A : f32 to vector<512x1xf32>
    %broadcast_in_dim3A_8 = arith.constant 8.192000e+03 : f32
    %broadcast_in_dim3A_9 = vector.broadcast %broadcast_in_dim3A_8 : f32 to vector<512x1xf32>
    %get3A_10 = arith.constant 0 : index
    %get3A_11 = arith.constant 0 : index
    %get3A_12 = vector.load %arg2[%get3A_10, %get3A_11] : memref<8192x64xf32, #tpu.memory_space<vmem>>, vector<1024x64xf32>
    %dot_general3A = arith.constant dense<0.000000e+00> : vector<512x1024xf32>
    %dot_general3A_13 = tpu.matmul %get3A_1, %get3A_12, %dot_general3A {dimension_numbers = #tpu.dot_dimension_numbers<[1], [1], [0], [0], [0, 0, 1, 0], [], []>, transpose_lhs_hint = false} : vector<512x64xf32>, vector<1024x64xf32>, vector<512x1024xf32> -> vector<512x1024xf32>
    %reduce_max3A = arith.constant dense<0xFF800000> : vector<512xf32>
    %reduce_max3A_14 = vector.multi_reduction <maximumf>, %dot_general3A_13, %reduce_max3A [1] : vector<512x1024xf32> to vector<512xf32>
    %broadcast_in_dim3A_15 = vector.shape_cast %reduce_max3A_14 : vector<512xf32> to vector<512x1xf32>
    %iota3A = tpu.iota {dimensions = array<i32: 1>} : vector<512x1024xi32>
    %convert_element_type3A = arith.sitofp %iota3A : vector<512x1024xi32> to vector<512x1024xf32>
    %add3A = arith.constant 0.000000e+00 : f32
    %add3A_16 = vector.broadcast %add3A : f32 to vector<512x1024xf32>
    %add3A_17 = arith.addf %convert_element_type3A, %add3A_16 : vector<512x1024xf32>
    %eq3A = vector.broadcast %broadcast_in_dim3A_15 : vector<512x1xf32> to vector<512x1024xf32>
    %eq3A_18 = arith.cmpf oeq, %dot_general3A_13, %eq3A : vector<512x1024xf32>
    %jit3A = arith.constant 8.192000e+03 : f32
    %broadcast_in_dim3A_19 = vector.broadcast %jit3A : f32 to vector<512x1024xf32>
    %select_n3A = arith.select %eq3A_18, %add3A_17, %broadcast_in_dim3A_19 : vector<512x1024xi1>, vector<512x1024xf32>
    %reduce_min3A = arith.constant dense<0x7F800000> : vector<512xf32>
    %reduce_min3A_20 = vector.multi_reduction <minimumf>, %select_n3A, %reduce_min3A [1] : vector<512x1024xf32> to vector<512xf32>
    %broadcast_in_dim3A_21 = vector.shape_cast %reduce_min3A_20 : vector<512xf32> to vector<512x1xf32>
    %gt3A = arith.cmpf ogt, %broadcast_in_dim3A_15, %broadcast_in_dim3A_7 : vector<512x1xf32>
    %select_n3A_22 = arith.select %gt3A, %broadcast_in_dim3A_15, %broadcast_in_dim3A_7 : vector<512x1xi1>, vector<512x1xf32>
    %select_n3A_23 = arith.select %gt3A, %broadcast_in_dim3A_21, %broadcast_in_dim3A_9 : vector<512x1xi1>, vector<512x1xf32>
    %get3A_24 = arith.constant 1024 : index
    %get3A_25 = arith.constant 0 : index
    %get3A_26 = vector.load %arg2[%get3A_24, %get3A_25] : memref<8192x64xf32, #tpu.memory_space<vmem>>, vector<1024x64xf32>
    %dot_general3A_27 = arith.constant dense<0.000000e+00> : vector<512x1024xf32>
    %dot_general3A_28 = tpu.matmul %get3A_1, %get3A_26, %dot_general3A_27 {dimension_numbers = #tpu.dot_dimension_numbers<[1], [1], [0], [0], [0, 0, 1, 0], [], []>, transpose_lhs_hint = false} : vector<512x64xf32>, vector<1024x64xf32>, vector<512x1024xf32> -> vector<512x1024xf32>
    %reduce_max3A_29 = arith.constant dense<0xFF800000> : vector<512xf32>
    %reduce_max3A_30 = vector.multi_reduction <maximumf>, %dot_general3A_28, %reduce_max3A_29 [1] : vector<512x1024xf32> to vector<512xf32>
    %broadcast_in_dim3A_31 = vector.shape_cast %reduce_max3A_30 : vector<512xf32> to vector<512x1xf32>
    %iota3A_32 = tpu.iota {dimensions = array<i32: 1>} : vector<512x1024xi32>
    %convert_element_type3A_33 = arith.sitofp %iota3A_32 : vector<512x1024xi32> to vector<512x1024xf32>
    %add3A_34 = arith.constant 1.024000e+03 : f32
    %add3A_35 = vector.broadcast %add3A_34 : f32 to vector<512x1024xf32>
    %add3A_36 = arith.addf %convert_element_type3A_33, %add3A_35 : vector<512x1024xf32>
    %eq3A_37 = vector.broadcast %broadcast_in_dim3A_31 : vector<512x1xf32> to vector<512x1024xf32>
    %eq3A_38 = arith.cmpf oeq, %dot_general3A_28, %eq3A_37 : vector<512x1024xf32>
    %jit3A_39 = arith.constant 8.192000e+03 : f32
    %broadcast_in_dim3A_40 = vector.broadcast %jit3A_39 : f32 to vector<512x1024xf32>
    %select_n3A_41 = arith.select %eq3A_38, %add3A_36, %broadcast_in_dim3A_40 : vector<512x1024xi1>, vector<512x1024xf32>
    %reduce_min3A_42 = arith.constant dense<0x7F800000> : vector<512xf32>
    %reduce_min3A_43 = vector.multi_reduction <minimumf>, %select_n3A_41, %reduce_min3A_42 [1] : vector<512x1024xf32> to vector<512xf32>
    %broadcast_in_dim3A_44 = vector.shape_cast %reduce_min3A_43 : vector<512xf32> to vector<512x1xf32>
    %gt3A_45 = arith.cmpf ogt, %broadcast_in_dim3A_31, %select_n3A_22 : vector<512x1xf32>
    %select_n3A_46 = arith.select %gt3A_45, %broadcast_in_dim3A_31, %select_n3A_22 : vector<512x1xi1>, vector<512x1xf32>
    %select_n3A_47 = arith.select %gt3A_45, %broadcast_in_dim3A_44, %select_n3A_23 : vector<512x1xi1>, vector<512x1xf32>
    %get3A_48 = arith.constant 2048 : index
    %get3A_49 = arith.constant 0 : index
    %get3A_50 = vector.load %arg2[%get3A_48, %get3A_49] : memref<8192x64xf32, #tpu.memory_space<vmem>>, vector<1024x64xf32>
    %dot_general3A_51 = arith.constant dense<0.000000e+00> : vector<512x1024xf32>
    %dot_general3A_52 = tpu.matmul %get3A_1, %get3A_50, %dot_general3A_51 {dimension_numbers = #tpu.dot_dimension_numbers<[1], [1], [0], [0], [0, 0, 1, 0], [], []>, transpose_lhs_hint = false} : vector<512x64xf32>, vector<1024x64xf32>, vector<512x1024xf32> -> vector<512x1024xf32>
    %reduce_max3A_53 = arith.constant dense<0xFF800000> : vector<512xf32>
    %reduce_max3A_54 = vector.multi_reduction <maximumf>, %dot_general3A_52, %reduce_max3A_53 [1] : vector<512x1024xf32> to vector<512xf32>
    %broadcast_in_dim3A_55 = vector.shape_cast %reduce_max3A_54 : vector<512xf32> to vector<512x1xf32>
    %iota3A_56 = tpu.iota {dimensions = array<i32: 1>} : vector<512x1024xi32>
    %convert_element_type3A_57 = arith.sitofp %iota3A_56 : vector<512x1024xi32> to vector<512x1024xf32>
    %add3A_58 = arith.constant 2.048000e+03 : f32
    %add3A_59 = vector.broadcast %add3A_58 : f32 to vector<512x1024xf32>
    %add3A_60 = arith.addf %convert_element_type3A_57, %add3A_59 : vector<512x1024xf32>
    %eq3A_61 = vector.broadcast %broadcast_in_dim3A_55 : vector<512x1xf32> to vector<512x1024xf32>
    %eq3A_62 = arith.cmpf oeq, %dot_general3A_52, %eq3A_61 : vector<512x1024xf32>
    %jit3A_63 = arith.constant 8.192000e+03 : f32
    %broadcast_in_dim3A_64 = vector.broadcast %jit3A_63 : f32 to vector<512x1024xf32>
    %select_n3A_65 = arith.select %eq3A_62, %add3A_60, %broadcast_in_dim3A_64 : vector<512x1024xi1>, vector<512x1024xf32>
    %reduce_min3A_66 = arith.constant dense<0x7F800000> : vector<512xf32>
    %reduce_min3A_67 = vector.multi_reduction <minimumf>, %select_n3A_65, %reduce_min3A_66 [1] : vector<512x1024xf32> to vector<512xf32>
    %broadcast_in_dim3A_68 = vector.shape_cast %reduce_min3A_67 : vector<512xf32> to vector<512x1xf32>
    %gt3A_69 = arith.cmpf ogt, %broadcast_in_dim3A_55, %select_n3A_46 : vector<512x1xf32>
    %select_n3A_70 = arith.select %gt3A_69, %broadcast_in_dim3A_55, %select_n3A_46 : vector<512x1xi1>, vector<512x1xf32>
    %select_n3A_71 = arith.select %gt3A_69, %broadcast_in_dim3A_68, %select_n3A_47 : vector<512x1xi1>, vector<512x1xf32>
    %get3A_72 = arith.constant 3072 : index
    %get3A_73 = arith.constant 0 : index
    %get3A_74 = vector.load %arg2[%get3A_72, %get3A_73] : memref<8192x64xf32, #tpu.memory_space<vmem>>, vector<1024x64xf32>
    %dot_general3A_75 = arith.constant dense<0.000000e+00> : vector<512x1024xf32>
    %dot_general3A_76 = tpu.matmul %get3A_1, %get3A_74, %dot_general3A_75 {dimension_numbers = #tpu.dot_dimension_numbers<[1], [1], [0], [0], [0, 0, 1, 0], [], []>, transpose_lhs_hint = false} : vector<512x64xf32>, vector<1024x64xf32>, vector<512x1024xf32> -> vector<512x1024xf32>
    %reduce_max3A_77 = arith.constant dense<0xFF800000> : vector<512xf32>
    %reduce_max3A_78 = vector.multi_reduction <maximumf>, %dot_general3A_76, %reduce_max3A_77 [1] : vector<512x1024xf32> to vector<512xf32>
    %broadcast_in_dim3A_79 = vector.shape_cast %reduce_max3A_78 : vector<512xf32> to vector<512x1xf32>
    %iota3A_80 = tpu.iota {dimensions = array<i32: 1>} : vector<512x1024xi32>
    %convert_element_type3A_81 = arith.sitofp %iota3A_80 : vector<512x1024xi32> to vector<512x1024xf32>
    %add3A_82 = arith.constant 3.072000e+03 : f32
    %add3A_83 = vector.broadcast %add3A_82 : f32 to vector<512x1024xf32>
    %add3A_84 = arith.addf %convert_element_type3A_81, %add3A_83 : vector<512x1024xf32>
    %eq3A_85 = vector.broadcast %broadcast_in_dim3A_79 : vector<512x1xf32> to vector<512x1024xf32>
    %eq3A_86 = arith.cmpf oeq, %dot_general3A_76, %eq3A_85 : vector<512x1024xf32>
    %jit3A_87 = arith.constant 8.192000e+03 : f32
    %broadcast_in_dim3A_88 = vector.broadcast %jit3A_87 : f32 to vector<512x1024xf32>
    %select_n3A_89 = arith.select %eq3A_86, %add3A_84, %broadcast_in_dim3A_88 : vector<512x1024xi1>, vector<512x1024xf32>
    %reduce_min3A_90 = arith.constant dense<0x7F800000> : vector<512xf32>
    %reduce_min3A_91 = vector.multi_reduction <minimumf>, %select_n3A_89, %reduce_min3A_90 [1] : vector<512x1024xf32> to vector<512xf32>
    %broadcast_in_dim3A_92 = vector.shape_cast %reduce_min3A_91 : vector<512xf32> to vector<512x1xf32>
    %gt3A_93 = arith.cmpf ogt, %broadcast_in_dim3A_79, %select_n3A_70 : vector<512x1xf32>
    %select_n3A_94 = arith.select %gt3A_93, %broadcast_in_dim3A_79, %select_n3A_70 : vector<512x1xi1>, vector<512x1xf32>
    %select_n3A_95 = arith.select %gt3A_93, %broadcast_in_dim3A_92, %select_n3A_71 : vector<512x1xi1>, vector<512x1xf32>
    %get3A_96 = arith.constant 4096 : index
    %get3A_97 = arith.constant 0 : index
    %get3A_98 = vector.load %arg2[%get3A_96, %get3A_97] : memref<8192x64xf32, #tpu.memory_space<vmem>>, vector<1024x64xf32>
    %dot_general3A_99 = arith.constant dense<0.000000e+00> : vector<512x1024xf32>
    %dot_general3A_100 = tpu.matmul %get3A_1, %get3A_98, %dot_general3A_99 {dimension_numbers = #tpu.dot_dimension_numbers<[1], [1], [0], [0], [0, 0, 1, 0], [], []>, transpose_lhs_hint = false} : vector<512x64xf32>, vector<1024x64xf32>, vector<512x1024xf32> -> vector<512x1024xf32>
    %reduce_max3A_101 = arith.constant dense<0xFF800000> : vector<512xf32>
    %reduce_max3A_102 = vector.multi_reduction <maximumf>, %dot_general3A_100, %reduce_max3A_101 [1] : vector<512x1024xf32> to vector<512xf32>
    %broadcast_in_dim3A_103 = vector.shape_cast %reduce_max3A_102 : vector<512xf32> to vector<512x1xf32>
    %iota3A_104 = tpu.iota {dimensions = array<i32: 1>} : vector<512x1024xi32>
    %convert_element_type3A_105 = arith.sitofp %iota3A_104 : vector<512x1024xi32> to vector<512x1024xf32>
    %add3A_106 = arith.constant 4.096000e+03 : f32
    %add3A_107 = vector.broadcast %add3A_106 : f32 to vector<512x1024xf32>
    %add3A_108 = arith.addf %convert_element_type3A_105, %add3A_107 : vector<512x1024xf32>
    %eq3A_109 = vector.broadcast %broadcast_in_dim3A_103 : vector<512x1xf32> to vector<512x1024xf32>
    %eq3A_110 = arith.cmpf oeq, %dot_general3A_100, %eq3A_109 : vector<512x1024xf32>
    %jit3A_111 = arith.constant 8.192000e+03 : f32
    %broadcast_in_dim3A_112 = vector.broadcast %jit3A_111 : f32 to vector<512x1024xf32>
    %select_n3A_113 = arith.select %eq3A_110, %add3A_108, %broadcast_in_dim3A_112 : vector<512x1024xi1>, vector<512x1024xf32>
    %reduce_min3A_114 = arith.constant dense<0x7F800000> : vector<512xf32>
    %reduce_min3A_115 = vector.multi_reduction <minimumf>, %select_n3A_113, %reduce_min3A_114 [1] : vector<512x1024xf32> to vector<512xf32>
    %broadcast_in_dim3A_116 = vector.shape_cast %reduce_min3A_115 : vector<512xf32> to vector<512x1xf32>
    %gt3A_117 = arith.cmpf ogt, %broadcast_in_dim3A_103, %select_n3A_94 : vector<512x1xf32>
    %select_n3A_118 = arith.select %gt3A_117, %broadcast_in_dim3A_103, %select_n3A_94 : vector<512x1xi1>, vector<512x1xf32>
    %select_n3A_119 = arith.select %gt3A_117, %broadcast_in_dim3A_116, %select_n3A_95 : vector<512x1xi1>, vector<512x1xf32>
    %get3A_120 = arith.constant 5120 : index
    %get3A_121 = arith.constant 0 : index
    %get3A_122 = vector.load %arg2[%get3A_120, %get3A_121] : memref<8192x64xf32, #tpu.memory_space<vmem>>, vector<1024x64xf32>
    %dot_general3A_123 = arith.constant dense<0.000000e+00> : vector<512x1024xf32>
    %dot_general3A_124 = tpu.matmul %get3A_1, %get3A_122, %dot_general3A_123 {dimension_numbers = #tpu.dot_dimension_numbers<[1], [1], [0], [0], [0, 0, 1, 0], [], []>, transpose_lhs_hint = false} : vector<512x64xf32>, vector<1024x64xf32>, vector<512x1024xf32> -> vector<512x1024xf32>
    %reduce_max3A_125 = arith.constant dense<0xFF800000> : vector<512xf32>
    %reduce_max3A_126 = vector.multi_reduction <maximumf>, %dot_general3A_124, %reduce_max3A_125 [1] : vector<512x1024xf32> to vector<512xf32>
    %broadcast_in_dim3A_127 = vector.shape_cast %reduce_max3A_126 : vector<512xf32> to vector<512x1xf32>
    %iota3A_128 = tpu.iota {dimensions = array<i32: 1>} : vector<512x1024xi32>
    %convert_element_type3A_129 = arith.sitofp %iota3A_128 : vector<512x1024xi32> to vector<512x1024xf32>
    %add3A_130 = arith.constant 5.120000e+03 : f32
    %add3A_131 = vector.broadcast %add3A_130 : f32 to vector<512x1024xf32>
    %add3A_132 = arith.addf %convert_element_type3A_129, %add3A_131 : vector<512x1024xf32>
    %eq3A_133 = vector.broadcast %broadcast_in_dim3A_127 : vector<512x1xf32> to vector<512x1024xf32>
    %eq3A_134 = arith.cmpf oeq, %dot_general3A_124, %eq3A_133 : vector<512x1024xf32>
    %jit3A_135 = arith.constant 8.192000e+03 : f32
    %broadcast_in_dim3A_136 = vector.broadcast %jit3A_135 : f32 to vector<512x1024xf32>
    %select_n3A_137 = arith.select %eq3A_134, %add3A_132, %broadcast_in_dim3A_136 : vector<512x1024xi1>, vector<512x1024xf32>
    %reduce_min3A_138 = arith.constant dense<0x7F800000> : vector<512xf32>
    %reduce_min3A_139 = vector.multi_reduction <minimumf>, %select_n3A_137, %reduce_min3A_138 [1] : vector<512x1024xf32> to vector<512xf32>
    %broadcast_in_dim3A_140 = vector.shape_cast %reduce_min3A_139 : vector<512xf32> to vector<512x1xf32>
    %gt3A_141 = arith.cmpf ogt, %broadcast_in_dim3A_127, %select_n3A_118 : vector<512x1xf32>
    %select_n3A_142 = arith.select %gt3A_141, %broadcast_in_dim3A_127, %select_n3A_118 : vector<512x1xi1>, vector<512x1xf32>
    %select_n3A_143 = arith.select %gt3A_141, %broadcast_in_dim3A_140, %select_n3A_119 : vector<512x1xi1>, vector<512x1xf32>
    %get3A_144 = arith.constant 6144 : index
    %get3A_145 = arith.constant 0 : index
    %get3A_146 = vector.load %arg2[%get3A_144, %get3A_145] : memref<8192x64xf32, #tpu.memory_space<vmem>>, vector<1024x64xf32>
    %dot_general3A_147 = arith.constant dense<0.000000e+00> : vector<512x1024xf32>
    %dot_general3A_148 = tpu.matmul %get3A_1, %get3A_146, %dot_general3A_147 {dimension_numbers = #tpu.dot_dimension_numbers<[1], [1], [0], [0], [0, 0, 1, 0], [], []>, transpose_lhs_hint = false} : vector<512x64xf32>, vector<1024x64xf32>, vector<512x1024xf32> -> vector<512x1024xf32>
    %reduce_max3A_149 = arith.constant dense<0xFF800000> : vector<512xf32>
    %reduce_max3A_150 = vector.multi_reduction <maximumf>, %dot_general3A_148, %reduce_max3A_149 [1] : vector<512x1024xf32> to vector<512xf32>
    %broadcast_in_dim3A_151 = vector.shape_cast %reduce_max3A_150 : vector<512xf32> to vector<512x1xf32>
    %iota3A_152 = tpu.iota {dimensions = array<i32: 1>} : vector<512x1024xi32>
    %convert_element_type3A_153 = arith.sitofp %iota3A_152 : vector<512x1024xi32> to vector<512x1024xf32>
    %add3A_154 = arith.constant 6.144000e+03 : f32
    %add3A_155 = vector.broadcast %add3A_154 : f32 to vector<512x1024xf32>
    %add3A_156 = arith.addf %convert_element_type3A_153, %add3A_155 : vector<512x1024xf32>
    %eq3A_157 = vector.broadcast %broadcast_in_dim3A_151 : vector<512x1xf32> to vector<512x1024xf32>
    %eq3A_158 = arith.cmpf oeq, %dot_general3A_148, %eq3A_157 : vector<512x1024xf32>
    %jit3A_159 = arith.constant 8.192000e+03 : f32
    %broadcast_in_dim3A_160 = vector.broadcast %jit3A_159 : f32 to vector<512x1024xf32>
    %select_n3A_161 = arith.select %eq3A_158, %add3A_156, %broadcast_in_dim3A_160 : vector<512x1024xi1>, vector<512x1024xf32>
    %reduce_min3A_162 = arith.constant dense<0x7F800000> : vector<512xf32>
    %reduce_min3A_163 = vector.multi_reduction <minimumf>, %select_n3A_161, %reduce_min3A_162 [1] : vector<512x1024xf32> to vector<512xf32>
    %broadcast_in_dim3A_164 = vector.shape_cast %reduce_min3A_163 : vector<512xf32> to vector<512x1xf32>
    %gt3A_165 = arith.cmpf ogt, %broadcast_in_dim3A_151, %select_n3A_142 : vector<512x1xf32>
    %select_n3A_166 = arith.select %gt3A_165, %broadcast_in_dim3A_151, %select_n3A_142 : vector<512x1xi1>, vector<512x1xf32>
    %select_n3A_167 = arith.select %gt3A_165, %broadcast_in_dim3A_164, %select_n3A_143 : vector<512x1xi1>, vector<512x1xf32>
    %get3A_168 = arith.constant 7168 : index
    %get3A_169 = arith.constant 0 : index
    %get3A_170 = vector.load %arg2[%get3A_168, %get3A_169] : memref<8192x64xf32, #tpu.memory_space<vmem>>, vector<1024x64xf32>
    %dot_general3A_171 = arith.constant dense<0.000000e+00> : vector<512x1024xf32>
    %dot_general3A_172 = tpu.matmul %get3A_1, %get3A_170, %dot_general3A_171 {dimension_numbers = #tpu.dot_dimension_numbers<[1], [1], [0], [0], [0, 0, 1, 0], [], []>, transpose_lhs_hint = false} : vector<512x64xf32>, vector<1024x64xf32>, vector<512x1024xf32> -> vector<512x1024xf32>
    %reduce_max3A_173 = arith.constant dense<0xFF800000> : vector<512xf32>
    %reduce_max3A_174 = vector.multi_reduction <maximumf>, %dot_general3A_172, %reduce_max3A_173 [1] : vector<512x1024xf32> to vector<512xf32>
    %broadcast_in_dim3A_175 = vector.shape_cast %reduce_max3A_174 : vector<512xf32> to vector<512x1xf32>
    %iota3A_176 = tpu.iota {dimensions = array<i32: 1>} : vector<512x1024xi32>
    %convert_element_type3A_177 = arith.sitofp %iota3A_176 : vector<512x1024xi32> to vector<512x1024xf32>
    %add3A_178 = arith.constant 7.168000e+03 : f32
    %add3A_179 = vector.broadcast %add3A_178 : f32 to vector<512x1024xf32>
    %add3A_180 = arith.addf %convert_element_type3A_177, %add3A_179 : vector<512x1024xf32>
    %eq3A_181 = vector.broadcast %broadcast_in_dim3A_175 : vector<512x1xf32> to vector<512x1024xf32>
    %eq3A_182 = arith.cmpf oeq, %dot_general3A_172, %eq3A_181 : vector<512x1024xf32>
    %jit3A_183 = arith.constant 8.192000e+03 : f32
    %broadcast_in_dim3A_184 = vector.broadcast %jit3A_183 : f32 to vector<512x1024xf32>
    %select_n3A_185 = arith.select %eq3A_182, %add3A_180, %broadcast_in_dim3A_184 : vector<512x1024xi1>, vector<512x1024xf32>
    %reduce_min3A_186 = arith.constant dense<0x7F800000> : vector<512xf32>
    %reduce_min3A_187 = vector.multi_reduction <minimumf>, %select_n3A_185, %reduce_min3A_186 [1] : vector<512x1024xf32> to vector<512xf32>
    %broadcast_in_dim3A_188 = vector.shape_cast %reduce_min3A_187 : vector<512xf32> to vector<512x1xf32>
    %gt3A_189 = arith.cmpf ogt, %broadcast_in_dim3A_175, %select_n3A_166 : vector<512x1xf32>
    %select_n3A_190 = arith.select %gt3A_189, %broadcast_in_dim3A_188, %select_n3A_167 : vector<512x1xi1>, vector<512x1xf32>
    %squeeze3A = vector.shape_cast %select_n3A_190 : vector<512x1xf32> to vector<512xf32>
    %convert_element_type3A_191 = arith.fptosi %squeeze3A : vector<512xf32> to vector<512xi32>
    %swap3A_192 = arith.constant 0 : index
    %swap3A_193 = vector.load %arg4[%swap3A_192] : memref<512xi32, #tpu.memory_space<vmem>>, vector<512xi32>
    tpu.vector_store %arg4[%swap3A_192], %convert_element_type3A_191 {strides = array<i32>} : memref<512xi32, #tpu.memory_space<vmem>>, vector<512xi32>,
    return
  }
  func.func @transform_0(%arg0: i32) -> (i32, i32) {
    %c0_i32 = arith.constant 0 : i32
    %c0_i32_0 = arith.constant 0 : i32
    return %arg0, %c0_i32 : i32, i32
  }
  func.func @transform_1(%arg0: i32) -> (i32, i32) {
    %c0_i32 = arith.constant 0 : i32
    %c0_i32_0 = arith.constant 0 : i32
    %c0_i32_1 = arith.constant 0 : i32
    return %c0_i32, %c0_i32_0 : i32, i32
  }
  func.func @transform_2(%arg0: i32) -> (i32, i32) {
    %c0_i32 = arith.constant 0 : i32
    %c0_i32_0 = arith.constant 0 : i32
    return %c0_i32, %arg0 : i32, i32
  }
  func.func @transform_3(%arg0: i32) -> i32 {
    %c0_i32 = arith.constant 0 : i32
    return %arg0 : i32
  }
  func.func @transform_4(%arg0: i32) -> (i32, i32) {
    %c0_i32 = arith.constant 0 : i32
    %c0_i32_0 = arith.constant 0 : i32
    return %arg0, %c0_i32 : i32, i32
  }
}

</mosaic_0001>

<sc_bundles>
// kernel: kernel.4.cloned.1.call-start
scs
__scs_entry_jumppad:
0x0: {  	(pc) =	sbr.rel $0x88, $3  }
0x1: {  	(tag) =	ssettag $0x0;
	lr =	simm.s32 $0x1  }
0x2: {  	[smem:$0x3F9E] =	sst lr;
	_ =	strace $0xD0000000  }
0x3: {  	_ = 	snop  }
0x4: {  	_ = 	snop  }
0x5: {  	_ = 	snop  }
0x6: {  	_ = 	snop  }
0x7: {  	_ = 	snop  }
__scs_overlays_trampoline_lowered:
0x8: {  	[smem:$0x3FAD] =	sst s0  }
0x9: {  	[smem:$0x3FAE] =	sst s1  }
0xa: {  	[smem:$0x3FAF] =	sst s2  }
0xb: {  	[smem:$0x3FB0] =	sst s3  }
0xc: {  	[smem:$0x3FB1] =	sst s4  }
0xd: {  	[smem:$0x3FB2] =	sst s5  }
0xe: {  	[smem:$0x3FB3] =	sst s6  }
0xf: {  	[smem:$0x3FB4] =	sst s7  }
0x10: {  	[smem:$0x3FB5] =	sst s8  }
0x11: {  	[smem:$0x3FB6] =	sst s9;
	s0 =	simm.s32 @!p0 $0x0  }
0x12: {  	s1 =	sld [smem:$0x3F9C];
	s0 =	simm.s32 @p0 $0x1  }
0x13: {  	[smem:$0x3FB7] =	sst s0;
	s0 =	simm.s32 @!p1 $0x0  }
0x14: {  	s2 =	sld [smem:$0x3F9B];
	s0 =	simm.s32 @p1 $0x1  }
0x15: {  	[smem:$0x3FB8] =	sst s0;
	s0 =	simm.s32 @!p2 $0x0  }
0x16: {  	s3 =	sld [smem:$0x3FDB];
	s0 =	simm.s32 @p2 $0x1  }
0x17: {  	s4 =	simm.s32 $0x1BF5;
	[smem:$0x3FBA] =	sst s0  }
0x18: {  	s0 =	sld [smem:$0x3F9D];
	_ =	swait.ge [sflag:s4], $0x0  }
0x19: {  	s7 =	sld [smem:$0x3F9E]  }
0x1a: {  	s8 =	sadd.s32 $0xFFFFE003, lr  }
0x1b: {  	s9 =	sadd.s32 $0xFFFFFEF7, lr;
	s5 =	simm.s32 $0xFFFFFFFF;
	p2 =	slt.u32 s8, $0xFFFFF086  }
0x1c: {  	p1 =	slt.u32 s9, $0xF7A;
	s5 =	simm.s32 @!p2 $0x0  }
0x1d: {  	s5 =	simm.s32 @p1 $0x1;
	p0 =	seq.s32 s7, s2  }
0x1e: {  	s7 =	smul.u32 @!p0 $0xF7A, s2;
	p2 =	seq.s32 @!p0 s5, $0x0  }
0x1f: {  	s9 =	smul.u32 $0xF7A, s1;
	s8 =	simm.s32 @!p0 $0x1BF5;
	p2 =	por !p2, p0  }
0x20: {  	[sflag:s8] =	ssyncset.s32 @!p0 $0xFFFFF086;
	s6 =	sadd.s32 @!p0 s3, s7;
	s7 =	simm.s32 @!p0 $0x108  }
0x21: {  	s3 =	sadd.s32 s3, s9;
	s6 =	sadd.s32 @!p0 $0x88, s6;
	s7 =	simm.s32 @p2 $0x1082  }
0x22: {  	[simem:s7], [sflag:s8] =	dma.local @!p0 [hbm:s6], $0xF7A  }
0x23: {  	s9 =	sor.u32 $0xD0000000, s2;
	s6 =	simm.s32 $0x108;
	_ =	swait.ge @!p0 [sflag:s8], $0x0  }
0x24: {  	s3 =	sadd.s32 $0x88, s3;
	s6 =	simm.s32 @!p1 $0x1082;
	[sflag:s4] =	ssyncset.s32 $0xFFFFF086  }
0x25: {  	[simem:s6], [sflag:s4] =	dma.local [hbm:s3], $0xF7A  }
0x26: {  	[smem:$0x3F9E] =	sst s1;
	(tag) =	ssettag s2;
	_ =	strace s9  }
0x27: {  	s1 =	sld [smem:$0x3FAE]  }
0x28: {  	s2 =	sld [smem:$0x3FAF]  }
0x29: {  	s4 =	sld [smem:$0x3FB1]  }
0x2a: {  	p0 =	seq.s32 s5, $0x0;
	s5 =	sld [smem:$0x3FB2]  }
0x2b: {  	s6 =	sld [smem:$0x3FB3]  }
0x2c: {  	s7 =	sld [smem:$0x3FB4]  }
0x2d: {  	s3 =	simm.s32 $0x108;
	s8 =	sld [smem:$0x3FB5]  }
0x2e: {  	s3 =	simm.s32 @!p0 $0x1082;
	s9 =	sld [smem:$0x3FB6]  }
0x2f: {  	lr =	sadd.s32 s0, s3;
	s0 =	sld [smem:$0x3FAD]  }
0x30: {  	s3 =	sld [smem:$0x3FB0]  }
0x31: {  	[smem:$0x3FB9] =	sst s10  }
0x32: {  	s10 =	sld [smem:$0x3FB7];
	_ =	sdelay $0x3  }
0x33: {  	p0 =	seq.s32 s10, $0x1;
	s10 =	sld [smem:$0x3FB9];
	_ =	sdelay $0x3  }
0x34: {  	[smem:$0x3FB9] =	sst s10  }
0x35: {  	s10 =	sld [smem:$0x3FB8];
	_ =	sdelay $0x3  }
0x36: {  	p1 =	seq.s32 s10, $0x1;
	s10 =	sld [smem:$0x3FB9];
	_ =	sdelay $0x3  }
0x37: {  	[smem:$0x3FB9] =	sst s10  }
0x38: {  	s10 =	sld [smem:$0x3FBA]  }
0x39: {  	_ = 	snop;
	(pc) =	sbr.ind lr, $3  }
0x3a: {  	_ = 	snop  }
0x3b: {  	_ = 	snop  }
0x3c: {  	p2 =	seq.s32 s10, $0x1;
	s10 =	sld [smem:$0x3FB9]  }
0x3d: {  	_ =	shalt  }
0x3e: {  	_ =	shalt  }
0x3f: {  	_ =	shalt  }
0x40: {  	_ =	shalt  }
0x41: {  	_ =	shalt  }
0x42: {  	_ =	shalt  }
0x43: {  	_ =	shalt  }
0x44: {  	_ =	shalt  }
0x45: {  	_ =	shalt  }
0x46: {  	_ =	shalt  }
0x47: {  	_ =	shalt  }
0x48: {  	_ =	shalt  }
0x49: {  	_ =	shalt  }
0x4a: {  	_ =	shalt  }
0x4b: {  	_ =	shalt  }
0x4c: {  	_ =	shalt  }
0x4d: {  	_ =	shalt  }
0x4e: {  	_ =	shalt  }
0x4f: {  	_ =	shalt  }
0x50: {  	_ =	shalt  }
0x51: {  	_ =	shalt  }
0x52: {  	_ =	shalt  }
0x53: {  	_ =	shalt  }
0x54: {  	_ =	shalt  }
0x55: {  	_ =	shalt  }
0x56: {  	_ =	shalt  }
0x57: {  	_ =	shalt  }
0x58: {  	_ =	shalt  }
0x59: {  	_ =	shalt  }
0x5a: {  	_ =	shalt  }
0x5b: {  	_ =	shalt  }
0x5c: {  	_ =	shalt  }
0x5d: {  	_ =	shalt  }
0x5e: {  	_ =	shalt  }
0x5f: {  	_ =	shalt  }
0x60: {  	_ =	shalt  }
0x61: {  	_ =	shalt  }
0x62: {  	_ =	shalt  }
0x63: {  	_ =	shalt  }
0x64: {  	_ =	shalt  }
0x65: {  	_ =	shalt  }
0x66: {  	_ =	shalt  }
0x67: {  	_ =	shalt  }
0x68: {  	_ =	shalt  }
0x69: {  	_ =	shalt  }
0x6a: {  	_ =	shalt  }
0x6b: {  	_ =	shalt  }
0x6c: {  	_ =	shalt  }
0x6d: {  	_ =	shalt  }
0x6e: {  	_ =	shalt  }
0x6f: {  	_ =	shalt  }
0x70: {  	_ =	shalt  }
0x71: {  	_ =	shalt  }
0x72: {  	_ =	shalt  }
0x73: {  	_ =	shalt  }
0x74: {  	_ =	shalt  }
0x75: {  	_ =	shalt  }
0x76: {  	_ =	shalt  }
0x77: {  	_ =	shalt  }
0x78: {  	_ =	shalt  }
0x79: {  	_ =	shalt  }
0x7a: {  	_ =	shalt  }
0x7b: {  	_ =	shalt  }
0x7c: {  	_ =	shalt  }
0x7d: {  	_ =	shalt  }
0x7e: {  	_ =	shalt  }
0x7f: {  	_ =	shalt  }
0x80: {  	_ =	shalt  }
0x81: {  	_ =	shalt  }
0x82: {  	_ =	shalt  }
0x83: {  	_ =	shalt  }
0x84: {  	_ =	shalt  }
0x85: {  	_ =	shalt  }
0x86: {  	_ =	shalt  }
0x87: {  	_ =	shalt  }
.Lfunc_end0:
.L_simem_size_0:
called_computation.1_lowered:
.L_overlay_start_0:
0x88: {  	s2 =	sld [smem:$0x3FD9]  }
0x89: {  	s3 =	sld [smem:$0x3FFE];
	_ =	sdelay $0x1  }
0x8a: {  	s1 =	srdreg.scid  }
0x8b: {  	s0 =	sand.u32 $0x1, s1  }
0x8c: {  	s17 =	sshll.u32 s0, $0xA;
	s2 =	sadd.s32 s3, s2  }
0x8d: {  	s2 =	sadd.s32 s2, s17  }
0x8e: {  	[smem:$0x3FC5] =	sst s2  }
0x8f: {  	_ = 	snop  }
0x90: {  	s2 =	sld [smem:$0x3FD0];
	(tm) =	ssettm $0x1  }
0x91: {  	s18 =	sld [smem:$0x3FFB];
	_ =	sdelay $0x3  }
0x92: {  	_ =	strace s18  }
0x93: {  	s3 =	sld [smem:$0x3FFC];
	_ =	sdelay $0x3  }
0x94: {  	_ =	strace s3  }
0x95: {  	s3 =	sld [smem:$0x3FFD];
	_ =	sdelay $0x3  }
0x96: {  	_ =	strace s3  }
0x97: {  	_ =	strace $0x8FFFFFFF  }
0x98: {  	s19 =	sld [smem:$0x3FDB];
	_ =	sdelay $0x1  }
0x99: {  	s4 =	simm.s32 $_scs_section_size  }
0x9a: {  	s5 =	simm.s32 $_size__tile_overlayer_lowered;
	s6 =	simm.s32 $_tile_overlayer_lowered  }
0x9b: {  	s22 =	simm.s32 $0x1BFF;
	s21 =	sshll.u32 s6, $0x1;
	s3 =	sadd.s32 s4, s19  }
0x9c: {  	s7 =	simm.s32 $0x0;
	s20 =	sshll.u32 s5, $0x1;
	s5 =	sadd.s32 s21, s3  }
0x9d: {  	[timem:s7], [sflag:s22] =	dma.local [hbm:s5], s20  }
0x9e: {  	_ =	swait.ge [sflag:s22], s20  }
0x9f: {  	s4 =	ssub.s32 $0x0, s20;
	[sflag:s22] =	ssyncset.done $0x0  }
0xa0: {  	[sflag:s22] =	ssyncadd.s32 s4;
	_ =	sdelay $0x1  }
0xa1: {  	s23 =	simm.s32 $0x1B8B  }
0xa2: {  	_ =	swait.ge [sflag:s23], $0x1  }
0xa3: {  	[sflag:s23] =	ssyncset.done $0x0  }
0xa4: {  	s25 =	simm.s32 $0x1B8E;
	s24 =	sld [smem:$0x3FFE];
	[sflag:s23] =	ssyncadd.s32 $0xFFFFFFFF  }
0xa5: {  	s26 =	simm.s32 $execute0_lowered;
	[smem:$0x3FD2] =	sst s25  }
0xa6: {  	s5 =	sshll.u32 s26, $0x1;
	_ =	strace $0x80000046;
	[dreg:$0x1] =	wrdreg $0xFFFFFFFF  }
0xa7: {  	s28 =	simm.s32 $_size_execute0_lowered;
	s3 =	sadd.s32 s3, s5;
	[dreg:$0x0] =	wrdreg $0x0  }
0xa8: {  	s5 =	sshll.u32 s28, $0x1;
	[dreg:$0x2] =	wrdreg s3  }
0xa9: {  	[dreg:$0x3] =	wrdreg s5  }
0xaa: {  	[dreg:$0x4] =	wrdreg $0xC0  }
0xab: {  	_ =	task [dreg:s7], $0x5FFFF  }
0xac: {  	[dreg:$0x1] =	wrdreg $0xFFFFFFFF  }
0xad: {  	[dreg:$0x0] =	wrdreg $0x60  }
0xae: {  	[dreg:$0x2] =	wrdreg s2  }
0xaf: {  	[dreg:$0x3] =	wrdreg s24  }
0xb0: {  	[dreg:$0x4] =	wrdreg $0x9  }
0xb1: {  	_ =	task.clear_ibuf [dreg:s7], $0x5FFFF;
	_ =	strace $0x90000046  }
0xb2: {  	s29 =	simm.s32 $0x9;
	_ =	strace $0x80000048  }
0xb3: {  	_ =	swait.ge [sflag:s29], $0x1  }
0xb4: {  	[sflag:s29] =	ssyncadd.s32 $0xFFFFFFFF  }
0xb5: {  	_ =	strace $0x90000048  }
0xb6: {  	_ =	sfence  }
0xb7: {  	s30 =	sld [smem:$0x0];
	_ =	sdelay $0x2  }
0xb8: {  	s31 =	sshll.u32 s1, $0xD;
	s1 =	sshrl.u32 s1, $0x2  }
0xb9: {  	s3 =	sand.u32 $0x4000, s31;
	s1 =	sadd.s32 s1, s30  }
0xba: {  	s0 =	sor.u32 s3, s0;
	s1 =	sshll.u32 s1, $0x11  }
0xbb: {  	s0 =	sor.u32 s1, s0  }
0xbc: {  	s0 =	sadd.s32 $0x8F2B, s0  }
0xbd: {  	[sflag:s0] =	ssyncadd.remote.s32 $0x1  }
0xbe: {  	_ =	sfence.sel $0xFFFF  }
0xbf: {  	[dreg:$0x0] =	wrdreg $0xFFFFFFFF;
	(pc) =	sbr.abs _section_cstart, $3  }
0xc0: {  	[dreg:$0x1] =	wrdreg $0xFFFFFFFF  }
0xc1: {  	_ =	task.clear_ibuf [dreg:s7], $0x2FFFF;
	_ =	strace $0x9FFFFFFF  }
0xc2: {  	(tm) =	ssettm $0x7FFFFFFF  }
0xc3: {  	_ =	shalt  }
tec
execute0_lowered:
.L_overlay_start_1:
0x0: {  	(tag) =	ssettag $0x1  }
0x1: {  	s0 =	srdreg.scid  }
0x2: {  	s1 =	stileid.u32;
	s0 =	sand.u32 $0x1, s0  }
0x3: {  	s1 =	sshll.u32 s1, $0xA;
	s3 =	sshll.u32 s0, $0x9  }
0x4: {  	s2 =	rddreg [dreg:$0x0];
	s1 =	sor.u32 s3, s1  }
0x5: {  	s4 =	rddreg [dreg:$0x1];
	s5 =	sshrl.u32 s1, $0x3  }
0x6: {  	s3 =	simm.s32 $0x0;
	s1 =	sshll.u32 s1, $0x7;
	s5 =	sadd.s32 s5, s4  }
0x7: {  	[smem:$0x7FF] =	sst s3;
	s1 =	sadd.s32 s1, s4;
	s16 =	sadd.s32 $0xA00, s5  }
0x8: {  	_ =	strace $0x80000047;
	s17 =	sadd.s32 $0x1200, s1;
	[dreg:$0x3] =	wrdreg s16  }
0x9: {  	s18 =	sadd.s32 $0x2200, s1;
	[dreg:$0x4] =	wrdreg s17  }
0xa: {  	s19 =	sadd.s32 $0x3200, s1;
	[dreg:$0x5] =	wrdreg s18  }
0xb: {  	s20 =	sadd.s32 $0x4200, s1;
	[dreg:$0x6] =	wrdreg s19  }
0xc: {  	s21 =	sadd.s32 $0x5200, s1;
	[dreg:$0x7] =	wrdreg s20  }
0xd: {  	s22 =	sadd.s32 $0x6200, s1;
	[dreg:$0x8] =	wrdreg s21  }
0xe: {  	s23 =	sadd.s32 $0x7200, s1;
	[dreg:$0x9] =	wrdreg s22  }
0xf: {  	s24 =	sadd.s32 $0x8200, s1;
	[dreg:$0xa] =	wrdreg s23  }
0x10: {  	s25 =	sadd.s32 $0x9200, s1;
	[dreg:$0xb] =	wrdreg s24  }
0x11: {  	s26 =	sadd.s32 $0xA200, s1;
	[dreg:$0xc] =	wrdreg s25  }
0x12: {  	s28 =	sadd.s32 $0xB200, s1;
	[dreg:$0xd] =	wrdreg s26  }
0x13: {  	s9 =	simm.s32 $0x200;
	s30 =	sadd.s32 $0xC200, s1;
	[dreg:$0xe] =	wrdreg s28  }
0x14: {  	s0 =	ssub.s32 $0x2, s0;
	s31 =	sadd.s32 $0xD200, s1;
	[dreg:$0xf] =	wrdreg s30  }
0x15: {  	s29 =	sshrl.u32 s0, $0x1;
	s6 =	sadd.s32 $0xE200, s1;
	[dreg:$0x10] =	wrdreg s31  }
0x16: {  	s0 =	ssub.s32 s0, s29;
	s7 =	sadd.s32 $0xF200, s1;
	[dreg:$0x11] =	wrdreg s6  }
0x17: {  	s4 =	sadd.s32 $0x100, s2;
	s1 =	sadd.s32 $0x10200, s1;
	[dreg:$0x12] =	wrdreg s7  }
0x18: {  	v2 =	vlaneseq.u32;
	s5 =	sadd.s32 $0x200, s2;
	s6 =	sadd.s32 $0x300, s2;
	[dreg:$0x13] =	wrdreg s1  }
0x19: {  	vm0 =	vmmov $0xffff;
	v1 =	vshrl.u32 v2, $0x3;
	s24 =	smax.u32 s0, $0x1;
	s25 =	simm.s32 $0x8200;
	s17 =	simm.s32 $0x1  }
0x1a: {  	v0 =	vand.u32 $0x7, v2;
	v2 =	vor.u32 $0x8, v2;
	v1 =	vmul.u32 $0x8, v1;
	s18 =	simm.s32 $0x3;
	s19 =	simm.s32 $0x2;
	s20 =	simm.s32 $0x4  }
.LBB2_1:
0x1b: {  	s21 =	rddreg [dreg:$0x3];
	s16 =	simm.s32 $0x5  }
0x1c: {  	[tilespmem:s3], [sflag:$0x5] =	stream.linear.gather [hbm4b:s21+s3], $0x200, $0x38;
	[tilespmem:$0x10200] =	vst v63  }
0x1d: {  	_ =	swait.ge [sflag:s16], $0x200  }
0x1e: {  	[sflag:s16] =	ssyncset.done $0x0  }
0x1f: {  	[sflag:s16] =	ssyncadd.s32 $0xFFFFFE00  }
0x20: {  	v3 =	vld [tilespmem:$0x0];
	_ =	sdelay $0x4  }
0x21: {  	v4 =	vshll.u32 v3, $0x3  }
0x22: {  	v3 =	vand.u32 $0x7, v3;
	v4 =	vand.u32 $0xFFFFFFC0, v4  }
0x23: {  	v3 =	vor.u32 v3, v4  }
0x24: {  	v4 =	vperm.xlane v3, v0;
	_ =	sdelay $0x1  }
0x25: {  	v4 =	vadd.s32 v1, v4;
	_ =	sdelay $0x4  }
0x26: {  	[tilespmem:s9], [sflag:$0x1] =	stream.indirect_vreg.gather [hbm4b:s2+s3], $0x80, v4, vm0, $0xb8;
	[tilespmem:$0x10200] =	vst v63  }
0x27: {  	s0 =	simm.s32 $0xA00;
	v3 =	vperm.xlane v3, v2  }
0x28: {  	[tilespmem:s0], [sflag:$0x1] =	stream.indirect_vreg.gather [hbm4b:s4+s3], $0x80, v4, vm0, $0xb8;
	[tilespmem:$0x10200] =	vst v63  }
0x29: {  	s21 =	simm.s32 $0x1200;
	v3 =	vadd.s32 v1, v3  }
0x2a: {  	[tilespmem:s21], [sflag:$0x1] =	stream.indirect_vreg.gather [hbm4b:s5+s3], $0x80, v4, vm0, $0xb8;
	[tilespmem:$0x10200] =	vst v63  }
0x2b: {  	s22 =	simm.s32 $0x1A00  }
0x2c: {  	[tilespmem:s22], [sflag:$0x1] =	stream.indirect_vreg.gather [hbm4b:s6+s3], $0x80, v4, vm0, $0xb8;
	[tilespmem:$0x10200] =	vst v63  }
0x2d: {  	s23 =	simm.s32 $0x2200  }
0x2e: {  	[tilespmem:s23], [sflag:$0x1] =	stream.indirect_vreg.gather [hbm4b:s2+s3], $0x80, v3, vm0, $0xb8;
	[tilespmem:$0x10200] =	vst v63  }
0x2f: {  	s26 =	simm.s32 $0x2A00  }
0x30: {  	[tilespmem:s26], [sflag:$0x1] =	stream.indirect_vreg.gather [hbm4b:s4+s3], $0x80, v3, vm0, $0xb8;
	[tilespmem:$0x10200] =	vst v63  }
0x31: {  	s28 =	simm.s32 $0x3200  }
0x32: {  	[tilespmem:s28], [sflag:$0x1] =	stream.indirect_vreg.gather [hbm4b:s5+s3], $0x80, v3, vm0, $0xb8;
	[tilespmem:$0x10200] =	vst v63  }
0x33: {  	s29 =	simm.s32 $0x3A00  }
0x34: {  	[tilespmem:s29], [sflag:$0x1] =	stream.indirect_vreg.gather [hbm4b:s6+s3], $0x80, v3, vm0, $0xb8;
	[tilespmem:$0x10200] =	vst v63  }
0x35: {  	v3 =	vld [tilespmem:$0x10];
	_ =	sdelay $0x4  }
0x36: {  	v33 =	vshll.u32 v3, $0x3  }
0x37: {  	v3 =	vand.u32 $0x7, v3;
	v4 =	vand.u32 $0xFFFFFFC0, v33  }
0x38: {  	v3 =	vor.u32 v3, v4  }
0x39: {  	v4 =	vperm.xlane v3, v0;
	_ =	sdelay $0x1  }
0x3a: {  	v4 =	vadd.s32 v1, v4;
	_ =	sdelay $0x3  }
0x3b: {  	s30 =	simm.s32 $0x4200  }
0x3c: {  	[tilespmem:s30], [sflag:$0x1] =	stream.indirect_vreg.gather [hbm4b:s2+s3], $0x80, v4, vm0, $0xb8;
	[tilespmem:$0x10200] =	vst v63  }
0x3d: {  	s31 =	simm.s32 $0x4A00;
	v3 =	vperm.xlane v3, v2  }
0x3e: {  	[tilespmem:s31], [sflag:$0x1] =	stream.indirect_vreg.gather [hbm4b:s4+s3], $0x80, v4, vm0, $0xb8;
	[tilespmem:$0x10200] =	vst v63  }
0x3f: {  	s11 =	simm.s32 $0x5200;
	v3 =	vadd.s32 v1, v3  }
0x40: {  	[tilespmem:s11], [sflag:$0x1] =	stream.indirect_vreg.gather [hbm4b:s5+s3], $0x80, v4, vm0, $0xb8;
	[tilespmem:$0x10200] =	vst v63  }
0x41: {  	s12 =	simm.s32 $0x5A00  }
0x42: {  	[tilespmem:s12], [sflag:$0x1] =	stream.indirect_vreg.gather [hbm4b:s6+s3], $0x80, v4, vm0, $0xb8;
	[tilespmem:$0x10200] =	vst v63  }
0x43: {  	s13 =	simm.s32 $0x6200  }
0x44: {  	[tilespmem:s13], [sflag:$0x1] =	stream.indirect_vreg.gather [hbm4b:s2+s3], $0x80, v3, vm0, $0xb8;
	[tilespmem:$0x10200] =	vst v63  }
0x45: {  	s14 =	simm.s32 $0x6A00  }
0x46: {  	[tilespmem:s14], [sflag:$0x1] =	stream.indirect_vreg.gather [hbm4b:s4+s3], $0x80, v3, vm0, $0xb8;
	[tilespmem:$0x10200] =	vst v63  }
0x47: {  	s21 =	simm.s32 $0x7200  }
0x48: {  	[tilespmem:s21], [sflag:$0x1] =	stream.indirect_vreg.gather [hbm4b:s5+s3], $0x80, v3, vm0, $0xb8;
	[tilespmem:$0x10200] =	vst v63  }
0x49: {  	s23 =	simm.s32 $0x7A00  }
0x4a: {  	[tilespmem:s23], [sflag:$0x1] =	stream.indirect_vreg.gather [hbm4b:s6+s3], $0x80, v3, vm0, $0xb8;
	[tilespmem:$0x10200] =	vst v63  }
0x4b: {  	v3 =	vld [tilespmem:$0x20];
	_ =	sdelay $0x4  }
0x4c: {  	v34 =	vshll.u32 v3, $0x3  }
0x4d: {  	v3 =	vand.u32 $0x7, v3;
	v4 =	vand.u32 $0xFFFFFFC0, v34  }
0x4e: {  	v3 =	vor.u32 v3, v4  }
0x4f: {  	v4 =	vperm.xlane v3, v0;
	_ =	sdelay $0x1  }
0x50: {  	v4 =	vadd.s32 v1, v4;
	_ =	sdelay $0x4  }
0x51: {  	[tilespmem:s25], [sflag:$0x2] =	stream.indirect_vreg.gather [hbm4b:s2+s3], $0x80, v4, vm0, $0xb8;
	[tilespmem:$0x10200] =	vst v63  }
0x52: {  	s26 =	simm.s32 $0x8A00;
	v3 =	vperm.xlane v3, v2  }
0x53: {  	[tilespmem:s26], [sflag:$0x2] =	stream.indirect_vreg.gather [hbm4b:s4+s3], $0x80, v4, vm0, $0xb8;
	[tilespmem:$0x10200] =	vst v63  }
0x54: {  	s28 =	simm.s32 $0x9200;
	v3 =	vadd.s32 v1, v3  }
0x55: {  	[tilespmem:s28], [sflag:$0x2] =	stream.indirect_vreg.gather [hbm4b:s5+s3], $0x80, v4, vm0, $0xb8;
	[tilespmem:$0x10200] =	vst v63  }
0x56: {  	s30 =	simm.s32 $0x9A00  }
0x57: {  	[tilespmem:s30], [sflag:$0x2] =	stream.indirect_vreg.gather [hbm4b:s6+s3], $0x80, v4, vm0, $0xb8;
	[tilespmem:$0x10200] =	vst v63  }
0x58: {  	s31 =	simm.s32 $0xA200  }
0x59: {  	[tilespmem:s31], [sflag:$0x2] =	stream.indirect_vreg.gather [hbm4b:s2+s3], $0x80, v3, vm0, $0xb8;
	[tilespmem:$0x10200] =	vst v63  }
0x5a: {  	s0 =	simm.s32 $0xAA00  }
0x5b: {  	[tilespmem:s0], [sflag:$0x2] =	stream.indirect_vreg.gather [hbm4b:s4+s3], $0x80, v3, vm0, $0xb8;
	[tilespmem:$0x10200] =	vst v63  }
0x5c: {  	s11 =	simm.s32 $0xB200  }
0x5d: {  	[tilespmem:s11], [sflag:$0x2] =	stream.indirect_vreg.gather [hbm4b:s5+s3], $0x80, v3, vm0, $0xb8;
	[tilespmem:$0x10200] =	vst v63  }
0x5e: {  	s12 =	simm.s32 $0xBA00  }
0x5f: {  	[tilespmem:s12], [sflag:$0x2] =	stream.indirect_vreg.gather [hbm4b:s6+s3], $0x80, v3, vm0, $0xb8;
	[tilespmem:$0x10200] =	vst v63  }
0x60: {  	v3 =	vld [tilespmem:$0x30];
	_ =	sdelay $0x4  }
0x61: {  	v35 =	vshll.u32 v3, $0x3  }
0x62: {  	v3 =	vand.u32 $0x7, v3;
	v4 =	vand.u32 $0xFFFFFFC0, v35  }
0x63: {  	v3 =	vor.u32 v3, v4  }
0x64: {  	v4 =	vperm.xlane v3, v0;
	_ =	sdelay $0x1  }
0x65: {  	v4 =	vadd.s32 v1, v4;
	_ =	sdelay $0x3  }
0x66: {  	s13 =	simm.s32 $0xC200  }
0x67: {  	[tilespmem:s13], [sflag:$0x2] =	stream.indirect_vreg.gather [hbm4b:s2+s3], $0x80, v4, vm0, $0xb8;
	[tilespmem:$0x10200] =	vst v63  }
0x68: {  	s14 =	simm.s32 $0xCA00;
	v3 =	vperm.xlane v3, v2  }
0x69: {  	[tilespmem:s14], [sflag:$0x2] =	stream.indirect_vreg.gather [hbm4b:s4+s3], $0x80, v4, vm0, $0xb8;
	[tilespmem:$0x10200] =	vst v63  }
0x6a: {  	s23 =	simm.s32 $0xD200;
	v3 =	vadd.s32 v1, v3  }
0x6b: {  	[tilespmem:s23], [sflag:$0x2] =	stream.indirect_vreg.gather [hbm4b:s5+s3], $0x80, v4, vm0, $0xb8;
	[tilespmem:$0x10200] =	vst v63  }
0x6c: {  	s30 =	simm.s32 $0xDA00  }
0x6d: {  	[tilespmem:s30], [sflag:$0x2] =	stream.indirect_vreg.gather [hbm4b:s6+s3], $0x80, v4, vm0, $0xb8;
	[tilespmem:$0x10200] =	vst v63  }
0x6e: {  	s31 =	simm.s32 $0xE200  }
0x6f: {  	[tilespmem:s31], [sflag:$0x2] =	stream.indirect_vreg.gather [hbm4b:s2+s3], $0x80, v3, vm0, $0xb8;
	[tilespmem:$0x10200] =	vst v63  }
0x70: {  	s0 =	simm.s32 $0xEA00  }
0x71: {  	[tilespmem:s0], [sflag:$0x2] =	stream.indirect_vreg.gather [hbm4b:s4+s3], $0x80, v3, vm0, $0xb8;
	[tilespmem:$0x10200] =	vst v63  }
0x72: {  	s11 =	simm.s32 $0xF200  }
0x73: {  	[tilespmem:s11], [sflag:$0x2] =	stream.indirect_vreg.gather [hbm4b:s5+s3], $0x80, v3, vm0, $0xb8;
	[tilespmem:$0x10200] =	vst v63  }
0x74: {  	s23 =	simm.s32 $0xFA00  }
0x75: {  	[tilespmem:s23], [sflag:$0x2] =	stream.indirect_vreg.gather [hbm4b:s6+s3], $0x80, v3, vm0, $0xb8;
	[tilespmem:$0x10200] =	vst v63  }
0x76: {  	_ =	swait.ge [sflag:s17], $0x8000  }
0x77: {  	[sflag:s17] =	ssyncset.done $0x0  }
0x78: {  	s0 =	rddreg [dreg:$0x4];
	[sflag:s17] =	ssyncadd.s32 $0xFFFF8000  }
0x79: {  	[hbm4b:s0+s3] =	stream.linear.scatter [tilespmem:s9], [sflag:$0x3], $0x8000, $0x38;
	[tilespmem:$0x10200] =	vst v63  }
0x7a: {  	_ =	swait.ge [sflag:s18], $0x8000  }
0x7b: {  	[sflag:s18] =	ssyncset.done $0x0  }
0x7c: {  	[sflag:s18] =	ssyncadd.s32 $0xFFFF8000  }
0x7d: {  	v3 =	vld [tilespmem:$0x40];
	_ =	sdelay $0x4  }
0x7e: {  	v36 =	vshll.u32 v3, $0x3  }
0x7f: {  	v3 =	vand.u32 $0x7, v3;
	v4 =	vand.u32 $0xFFFFFFC0, v36  }
0x80: {  	v3 =	vor.u32 v3, v4  }
0x81: {  	v4 =	vperm.xlane v3, v0;
	_ =	sdelay $0x1  }
0x82: {  	v4 =	vadd.s32 v1, v4;
	_ =	sdelay $0x4  }
0x83: {  	[tilespmem:s9], [sflag:$0x1] =	stream.indirect_vreg.gather [hbm4b:s2+s3], $0x80, v4, vm0, $0xb8;
	[tilespmem:$0x10200] =	vst v63  }
0x84: {  	s16 =	simm.s32 $0xA00;
	v3 =	vperm.xlane v3, v2  }
0x85: {  	[tilespmem:s16], [sflag:$0x1] =	stream.indirect_vreg.gather [hbm4b:s4+s3], $0x80, v4, vm0, $0xb8;
	[tilespmem:$0x10200] =	vst v63  }
0x86: {  	s1 =	simm.s32 $0x1200;
	v3 =	vadd.s32 v1, v3  }
0x87: {  	[tilespmem:s1], [sflag:$0x1] =	stream.indirect_vreg.gather [hbm4b:s5+s3], $0x80, v4, vm0, $0xb8;
	[tilespmem:$0x10200] =	vst v63  }
0x88: {  	s7 =	simm.s32 $0x1A00  }
0x89: {  	[tilespmem:s7], [sflag:$0x1] =	stream.indirect_vreg.gather [hbm4b:s6+s3], $0x80, v4, vm0, $0xb8;
	[tilespmem:$0x10200] =	vst v63  }
0x8a: {  	s8 =	simm.s32 $0x2200  }
0x8b: {  	[tilespmem:s8], [sflag:$0x1] =	stream.indirect_vreg.gather [hbm4b:s2+s3], $0x80, v3, vm0, $0xb8;
	[tilespmem:$0x10200] =	vst v63  }
0x8c: {  	s10 =	simm.s32 $0x2A00  }
0x8d: {  	[tilespmem:s10], [sflag:$0x1] =	stream.indirect_vreg.gather [hbm4b:s4+s3], $0x80, v3, vm0, $0xb8;
	[tilespmem:$0x10200] =	vst v63  }
0x8e: {  	s15 =	simm.s32 $0x3200  }
0x8f: {  	[tilespmem:s15], [sflag:$0x1] =	stream.indirect_vreg.gather [hbm4b:s5+s3], $0x80, v3, vm0, $0xb8;
	[tilespmem:$0x10200] =	vst v63  }
0x90: {  	s22 =	simm.s32 $0x3A00  }
0x91: {  	[tilespmem:s22], [sflag:$0x1] =	stream.indirect_vreg.gather [hbm4b:s6+s3], $0x80, v3, vm0, $0xb8;
	[tilespmem:$0x10200] =	vst v63  }
0x92: {  	v3 =	vld [tilespmem:$0x50];
	_ =	sdelay $0x4  }
0x93: {  	v37 =	vshll.u32 v3, $0x3  }
0x94: {  	v3 =	vand.u32 $0x7, v3;
	v4 =	vand.u32 $0xFFFFFFC0, v37  }
0x95: {  	v3 =	vor.u32 v3, v4  }
0x96: {  	v4 =	vperm.xlane v3, v0;
	_ =	sdelay $0x1  }
0x97: {  	v4 =	vadd.s32 v1, v4;
	_ =	sdelay $0x3  }
0x98: {  	s23 =	simm.s32 $0x4200  }
0x99: {  	[tilespmem:s23], [sflag:$0x1] =	stream.indirect_vreg.gather [hbm4b:s2+s3], $0x80, v4, vm0, $0xb8;
	[tilespmem:$0x10200] =	vst v63  }
0x9a: {  	s29 =	simm.s32 $0x4A00;
	v3 =	vperm.xlane v3, v2  }
0x9b: {  	[tilespmem:s29], [sflag:$0x1] =	stream.indirect_vreg.gather [hbm4b:s4+s3], $0x80, v4, vm0, $0xb8;
	[tilespmem:$0x10200] =	vst v63  }
0x9c: {  	s7 =	simm.s32 $0x5200;
	v3 =	vadd.s32 v1, v3  }
0x9d: {  	[tilespmem:s7], [sflag:$0x1] =	stream.indirect_vreg.gather [hbm4b:s5+s3], $0x80, v4, vm0, $0xb8;
	[tilespmem:$0x10200] =	vst v63  }
0x9e: {  	s8 =	simm.s32 $0x5A00  }
0x9f: {  	[tilespmem:s8], [sflag:$0x1] =	stream.indirect_vreg.gather [hbm4b:s6+s3], $0x80, v4, vm0, $0xb8;
	[tilespmem:$0x10200] =	vst v63  }
0xa0: {  	s29 =	simm.s32 $0x6200  }
0xa1: {  	[tilespmem:s29], [sflag:$0x1] =	stream.indirect_vreg.gather [hbm4b:s2+s3], $0x80, v3, vm0, $0xb8;
	[tilespmem:$0x10200] =	vst v63  }
0xa2: {  	s15 =	simm.s32 $0x6A00  }
0xa3: {  	[tilespmem:s15], [sflag:$0x1] =	stream.indirect_vreg.gather [hbm4b:s4+s3], $0x80, v3, vm0, $0xb8;
	[tilespmem:$0x10200] =	vst v63  }
0xa4: {  	s16 =	simm.s32 $0x7200  }
0xa5: {  	[tilespmem:s16], [sflag:$0x1] =	stream.indirect_vreg.gather [hbm4b:s5+s3], $0x80, v3, vm0, $0xb8;
	[tilespmem:$0x10200] =	vst v63  }
0xa6: {  	s22 =	simm.s32 $0x7A00  }
0xa7: {  	[tilespmem:s22], [sflag:$0x1] =	stream.indirect_vreg.gather [hbm4b:s6+s3], $0x80, v3, vm0, $0xb8;
	[tilespmem:$0x10200] =	vst v63  }
0xa8: {  	_ =	swait.ge [sflag:s19], $0x8000  }
0xa9: {  	[sflag:s19] =	ssyncset.done $0x0  }
0xaa: {  	s10 =	rddreg [dreg:$0x5];
	[sflag:s19] =	ssyncadd.s32 $0xFFFF8000  }
0xab: {  	[hbm4b:s10+s3] =	stream.linear.scatter [tilespmem:s25], [sflag:$0x4], $0x8000, $0x38;
	[tilespmem:$0x10200] =	vst v63  }
0xac: {  	_ =	swait.ge [sflag:s20], $0x8000  }
0xad: {  	[sflag:s20] =	ssyncset.done $0x0  }
0xae: {  	[sflag:s20] =	ssyncadd.s32 $0xFFFF8000  }
0xaf: {  	v3 =	vld [tilespmem:$0x60];
	_ =	sdelay $0x4  }
0xb0: {  	v38 =	vshll.u32 v3, $0x3  }
0xb1: {  	v3 =	vand.u32 $0x7, v3;
	v4 =	vand.u32 $0xFFFFFFC0, v38  }
0xb2: {  	v3 =	vor.u32 v3, v4  }
0xb3: {  	v4 =	vperm.xlane v3, v0;
	_ =	sdelay $0x1  }
0xb4: {  	v4 =	vadd.s32 v1, v4;
	_ =	sdelay $0x4  }
0xb5: {  	[tilespmem:s25], [sflag:$0x2] =	stream.indirect_vreg.gather [hbm4b:s2+s3], $0x80, v4, vm0, $0xb8;
	[tilespmem:$0x10200] =	vst v63  }
0xb6: {  	s1 =	simm.s32 $0x8A00;
	v3 =	vperm.xlane v3, v2  }
0xb7: {  	[tilespmem:s1], [sflag:$0x2] =	stream.indirect_vreg.gather [hbm4b:s4+s3], $0x80, v4, vm0, $0xb8;
	[tilespmem:$0x10200] =	vst v63  }
0xb8: {  	s0 =	simm.s32 $0x9200;
	v3 =	vadd.s32 v1, v3  }
0xb9: {  	[tilespmem:s0], [sflag:$0x2] =	stream.indirect_vreg.gather [hbm4b:s5+s3], $0x80, v4, vm0, $0xb8;
	[tilespmem:$0x10200] =	vst v63  }
0xba: {  	s21 =	simm.s32 $0x9A00  }
0xbb: {  	[tilespmem:s21], [sflag:$0x2] =	stream.indirect_vreg.gather [hbm4b:s6+s3], $0x80, v4, vm0, $0xb8;
	[tilespmem:$0x10200] =	vst v63  }
0xbc: {  	s26 =	simm.s32 $0xA200  }
0xbd: {  	[tilespmem:s26], [sflag:$0x2] =	stream.indirect_vreg.gather [hbm4b:s2+s3], $0x80, v3, vm0, $0xb8;
	[tilespmem:$0x10200] =	vst v63  }
0xbe: {  	s28 =	simm.s32 $0xAA00  }
0xbf: {  	[tilespmem:s28], [sflag:$0x2] =	stream.indirect_vreg.gather [hbm4b:s4+s3], $0x80, v3, vm0, $0xb8;
	[tilespmem:$0x10200] =	vst v63  }
0xc0: {  	s28 =	simm.s32 $0xB200  }
0xc1: {  	[tilespmem:s28], [sflag:$0x2] =	stream.indirect_vreg.gather [hbm4b:s5+s3], $0x80, v3, vm0, $0xb8;
	[tilespmem:$0x10200] =	vst v63  }
0xc2: {  	s12 =	simm.s32 $0xBA00  }
0xc3: {  	[tilespmem:s12], [sflag:$0x2] =	stream.indirect_vreg.gather [hbm4b:s6+s3], $0x80, v3, vm0, $0xb8;
	[tilespmem:$0x10200] =	vst v63  }
0xc4: {  	v3 =	vld [tilespmem:$0x70];
	_ =	sdelay $0x4  }
0xc5: {  	v39 =	vshll.u32 v3, $0x3  }
0xc6: {  	v3 =	vand.u32 $0x7, v3;
	v4 =	vand.u32 $0xFFFFFFC0, v39  }
0xc7: {  	v3 =	vor.u32 v3, v4  }
0xc8: {  	v4 =	vperm.xlane v3, v0;
	_ =	sdelay $0x1  }
0xc9: {  	v4 =	vadd.s32 v1, v4;
	_ =	sdelay $0x3  }
0xca: {  	s13 =	simm.s32 $0xC200  }
0xcb: {  	[tilespmem:s13], [sflag:$0x2] =	stream.indirect_vreg.gather [hbm4b:s2+s3], $0x80, v4, vm0, $0xb8;
	[tilespmem:$0x10200] =	vst v63  }
0xcc: {  	s14 =	simm.s32 $0xCA00;
	v3 =	vperm.xlane v3, v2  }
0xcd: {  	[tilespmem:s14], [sflag:$0x2] =	stream.indirect_vreg.gather [hbm4b:s4+s3], $0x80, v4, vm0, $0xb8;
	[tilespmem:$0x10200] =	vst v63  }
0xce: {  	v3 =	vadd.s32 v1, v3;
	s13 =	simm.s32 $0xD200  }
0xcf: {  	[tilespmem:s13], [sflag:$0x2] =	stream.indirect_vreg.gather [hbm4b:s5+s3], $0x80, v4, vm0, $0xb8;
	[tilespmem:$0x10200] =	vst v63  }
0xd0: {  	s14 =	simm.s32 $0xDA00  }
0xd1: {  	[tilespmem:s14], [sflag:$0x2] =	stream.indirect_vreg.gather [hbm4b:s6+s3], $0x80, v4, vm0, $0xb8;
	[tilespmem:$0x10200] =	vst v63  }
0xd2: {  	s21 =	simm.s32 $0xE200  }
0xd3: {  	[tilespmem:s21], [sflag:$0x2] =	stream.indirect_vreg.gather [hbm4b:s2+s3], $0x80, v3, vm0, $0xb8;
	[tilespmem:$0x10200] =	vst v63  }
0xd4: {  	s30 =	simm.s32 $0xEA00  }
0xd5: {  	[tilespmem:s30], [sflag:$0x2] =	stream.indirect_vreg.gather [hbm4b:s4+s3], $0x80, v3, vm0, $0xb8;
	[tilespmem:$0x10200] =	vst v63  }
0xd6: {  	s31 =	simm.s32 $0xF200  }
0xd7: {  	[tilespmem:s31], [sflag:$0x2] =	stream.indirect_vreg.gather [hbm4b:s5+s3], $0x80, v3, vm0, $0xb8;
	[tilespmem:$0x10200] =	vst v63  }
0xd8: {  	s11 =	simm.s32 $0xFA00  }
0xd9: {  	[tilespmem:s11], [sflag:$0x2] =	stream.indirect_vreg.gather [hbm4b:s6+s3], $0x80, v3, vm0, $0xb8;
	[tilespmem:$0x10200] =	vst v63  }
0xda: {  	_ =	swait.ge [sflag:s17], $0x8000  }
0xdb: {  	[sflag:s17] =	ssyncset.done $0x0  }
0xdc: {  	s21 =	rddreg [dreg:$0x6];
	[sflag:s17] =	ssyncadd.s32 $0xFFFF8000  }
0xdd: {  	[hbm4b:s21+s3] =	stream.linear.scatter [tilespmem:s9], [sflag:$0x3], $0x8000, $0x38;
	[tilespmem:$0x10200] =	vst v63  }
0xde: {  	_ =	swait.ge [sflag:s18], $0x8000  }
0xdf: {  	[sflag:s18] =	ssyncset.done $0x0  }
0xe0: {  	[sflag:s18] =	ssyncadd.s32 $0xFFFF8000  }
0xe1: {  	v3 =	vld [tilespmem:$0x80];
	_ =	sdelay $0x4  }
0xe2: {  	v40 =	vshll.u32 v3, $0x3  }
0xe3: {  	v3 =	vand.u32 $0x7, v3;
	v4 =	vand.u32 $0xFFFFFFC0, v40  }
0xe4: {  	v3 =	vor.u32 v3, v4  }
0xe5: {  	v4 =	vperm.xlane v3, v0;
	_ =	sdelay $0x1  }
0xe6: {  	v4 =	vadd.s32 v1, v4;
	_ =	sdelay $0x4  }
0xe7: {  	[tilespmem:s9], [sflag:$0x1] =	stream.indirect_vreg.gather [hbm4b:s2+s3], $0x80, v4, vm0, $0xb8;
	[tilespmem:$0x10200] =	vst v63  }
0xe8: {  	s21 =	simm.s32 $0xA00;
	v3 =	vperm.xlane v3, v2  }
0xe9: {  	[tilespmem:s21], [sflag:$0x1] =	stream.indirect_vreg.gather [hbm4b:s4+s3], $0x80, v4, vm0, $0xb8;
	[tilespmem:$0x10200] =	vst v63  }
0xea: {  	v3 =	vadd.s32 v1, v3;
	s21 =	simm.s32 $0x1200  }
0xeb: {  	[tilespmem:s21], [sflag:$0x1] =	stream.indirect_vreg.gather [hbm4b:s5+s3], $0x80, v4, vm0, $0xb8;
	[tilespmem:$0x10200] =	vst v63  }
0xec: {  	s21 =	simm.s32 $0x1A00  }
0xed: {  	[tilespmem:s21], [sflag:$0x1] =	stream.indirect_vreg.gather [hbm4b:s6+s3], $0x80, v4, vm0, $0xb8;
	[tilespmem:$0x10200] =	vst v63  }
0xee: {  	s21 =	simm.s32 $0x2200  }
0xef: {  	[tilespmem:s21], [sflag:$0x1] =	stream.indirect_vreg.gather [hbm4b:s2+s3], $0x80, v3, vm0, $0xb8;
	[tilespmem:$0x10200] =	vst v63  }
0xf0: {  	s21 =	simm.s32 $0x2A00  }
0xf1: {  	[tilespmem:s21], [sflag:$0x1] =	stream.indirect_vreg.gather [hbm4b:s4+s3], $0x80, v3, vm0, $0xb8;
	[tilespmem:$0x10200] =	vst v63  }
0xf2: {  	s21 =	simm.s32 $0x3200  }
0xf3: {  	[tilespmem:s21], [sflag:$0x1] =	stream.indirect_vreg.gather [hbm4b:s5+s3], $0x80, v3, vm0, $0xb8;
	[tilespmem:$0x10200] =	vst v63  }
0xf4: {  	s21 =	simm.s32 $0x3A00  }
0xf5: {  	[tilespmem:s21], [sflag:$0x1] =	stream.indirect_vreg.gather [hbm4b:s6+s3], $0x80, v3, vm0, $0xb8;
	[tilespmem:$0x10200] =	vst v63  }
0xf6: {  	v3 =	vld [tilespmem:$0x90];
	_ =	sdelay $0x4  }
0xf7: {  	v41 =	vshll.u32 v3, $0x3  }
0xf8: {  	v3 =	vand.u32 $0x7, v3;
	v4 =	vand.u32 $0xFFFFFFC0, v41  }
0xf9: {  	v3 =	vor.u32 v3, v4  }
0xfa: {  	v4 =	vperm.xlane v3, v0;
	_ =	sdelay $0x1  }
0xfb: {  	v4 =	vadd.s32 v1, v4;
	_ =	sdelay $0x4  }
0xfc: {  	[tilespmem:s23], [sflag:$0x1] =	stream.indirect_vreg.gather [hbm4b:s2+s3], $0x80, v4, vm0, $0xb8;
	[tilespmem:$0x10200] =	vst v63  }
0xfd: {  	s21 =	simm.s32 $0x4A00;
	v3 =	vperm.xlane v3, v2  }
0xfe: {  	[tilespmem:s21], [sflag:$0x1] =	stream.indirect_vreg.gather [hbm4b:s4+s3], $0x80, v4, vm0, $0xb8;
	[tilespmem:$0x10200] =	vst v63  }
0xff: {  	v3 =	vadd.s32 v1, v3  }
0x100: {  	[tilespmem:s7], [sflag:$0x1] =	stream.indirect_vreg.gather [hbm4b:s5+s3], $0x80, v4, vm0, $0xb8;
	[tilespmem:$0x10200] =	vst v63  }
0x101: {  	_ = 	snop  }
0x102: {  	[tilespmem:s8], [sflag:$0x1] =	stream.indirect_vreg.gather [hbm4b:s6+s3], $0x80, v4, vm0, $0xb8;
	[tilespmem:$0x10200] =	vst v63  }
0x103: {  	_ = 	snop  }
0x104: {  	[tilespmem:s29], [sflag:$0x1] =	stream.indirect_vreg.gather [hbm4b:s2+s3], $0x80, v3, vm0, $0xb8;
	[tilespmem:$0x10200] =	vst v63  }
0x105: {  	_ = 	snop  }
0x106: {  	[tilespmem:s15], [sflag:$0x1] =	stream.indirect_vreg.gather [hbm4b:s4+s3], $0x80, v3, vm0, $0xb8;
	[tilespmem:$0x10200] =	vst v63  }
0x107: {  	_ = 	snop  }
0x108: {  	[tilespmem:s16], [sflag:$0x1] =	stream.indirect_vreg.gather [hbm4b:s5+s3], $0x80, v3, vm0, $0xb8;
	[tilespmem:$0x10200] =	vst v63  }
0x109: {  	_ = 	snop  }
0x10a: {  	[tilespmem:s22], [sflag:$0x1] =	stream.indirect_vreg.gather [hbm4b:s6+s3], $0x80, v3, vm0, $0xb8;
	[tilespmem:$0x10200] =	vst v63  }
0x10b: {  	_ =	swait.ge [sflag:s19], $0x8000  }
0x10c: {  	[sflag:s19] =	ssyncset.done $0x0  }
0x10d: {  	s21 =	rddreg [dreg:$0x7];
	[sflag:s19] =	ssyncadd.s32 $0xFFFF8000  }
0x10e: {  	[hbm4b:s21+s3] =	stream.linear.scatter [tilespmem:s25], [sflag:$0x4], $0x8000, $0x38;
	[tilespmem:$0x10200] =	vst v63  }
0x10f: {  	_ =	swait.ge [sflag:s20], $0x8000  }
0x110: {  	[sflag:s20] =	ssyncset.done $0x0  }
0x111: {  	[sflag:s20] =	ssyncadd.s32 $0xFFFF8000  }
0x112: {  	v3 =	vld [tilespmem:$0xA0];
	_ =	sdelay $0x4  }
0x113: {  	v42 =	vshll.u32 v3, $0x3  }
0x114: {  	v3 =	vand.u32 $0x7, v3;
	v4 =	vand.u32 $0xFFFFFFC0, v42  }
0x115: {  	v3 =	vor.u32 v3, v4  }
0x116: {  	v4 =	vperm.xlane v3, v0;
	_ =	sdelay $0x1  }
0x117: {  	v4 =	vadd.s32 v1, v4;
	_ =	sdelay $0x4  }
0x118: {  	[tilespmem:s25], [sflag:$0x2] =	stream.indirect_vreg.gather [hbm4b:s2+s3], $0x80, v4, vm0, $0xb8;
	[tilespmem:$0x10200] =	vst v63  }
0x119: {  	v3 =	vperm.xlane v3, v2  }
0x11a: {  	[tilespmem:s1], [sflag:$0x2] =	stream.indirect_vreg.gather [hbm4b:s4+s3], $0x80, v4, vm0, $0xb8;
	[tilespmem:$0x10200] =	vst v63  }
0x11b: {  	v3 =	vadd.s32 v1, v3  }
0x11c: {  	[tilespmem:s0], [sflag:$0x2] =	stream.indirect_vreg.gather [hbm4b:s5+s3], $0x80, v4, vm0, $0xb8;
	[tilespmem:$0x10200] =	vst v63  }
0x11d: {  	s21 =	simm.s32 $0x9A00  }
0x11e: {  	[tilespmem:s21], [sflag:$0x2] =	stream.indirect_vreg.gather [hbm4b:s6+s3], $0x80, v4, vm0, $0xb8;
	[tilespmem:$0x10200] =	vst v63  }
0x11f: {  	s10 =	simm.s32 $0xA200  }
0x120: {  	[tilespmem:s10], [sflag:$0x2] =	stream.indirect_vreg.gather [hbm4b:s2+s3], $0x80, v3, vm0, $0xb8;
	[tilespmem:$0x10200] =	vst v63  }
0x121: {  	s26 =	simm.s32 $0xAA00  }
0x122: {  	[tilespmem:s26], [sflag:$0x2] =	stream.indirect_vreg.gather [hbm4b:s4+s3], $0x80, v3, vm0, $0xb8;
	[tilespmem:$0x10200] =	vst v63  }
0x123: {  	s28 =	simm.s32 $0xB200  }
0x124: {  	[tilespmem:s28], [sflag:$0x2] =	stream.indirect_vreg.gather [hbm4b:s5+s3], $0x80, v3, vm0, $0xb8;
	[tilespmem:$0x10200] =	vst v63  }
0x125: {  	s21 =	simm.s32 $0xBA00  }
0x126: {  	[tilespmem:s21], [sflag:$0x2] =	stream.indirect_vreg.gather [hbm4b:s6+s3], $0x80, v3, vm0, $0xb8;
	[tilespmem:$0x10200] =	vst v63  }
0x127: {  	v3 =	vld [tilespmem:$0xB0];
	_ =	sdelay $0x4  }
0x128: {  	v43 =	vshll.u32 v3, $0x3  }
0x129: {  	v3 =	vand.u32 $0x7, v3;
	v4 =	vand.u32 $0xFFFFFFC0, v43  }
0x12a: {  	v3 =	vor.u32 v3, v4  }
0x12b: {  	v4 =	vperm.xlane v3, v0;
	_ =	sdelay $0x1  }
0x12c: {  	v4 =	vadd.s32 v1, v4;
	_ =	sdelay $0x3  }
0x12d: {  	s21 =	simm.s32 $0xC200  }
0x12e: {  	[tilespmem:s21], [sflag:$0x2] =	stream.indirect_vreg.gather [hbm4b:s2+s3], $0x80, v4, vm0, $0xb8;
	[tilespmem:$0x10200] =	vst v63  }
0x12f: {  	v3 =	vperm.xlane v3, v2;
	s21 =	simm.s32 $0xCA00  }
0x130: {  	[tilespmem:s21], [sflag:$0x2] =	stream.indirect_vreg.gather [hbm4b:s4+s3], $0x80, v4, vm0, $0xb8;
	[tilespmem:$0x10200] =	vst v63  }
0x131: {  	s12 =	simm.s32 $0xD200;
	v3 =	vadd.s32 v1, v3  }
0x132: {  	[tilespmem:s12], [sflag:$0x2] =	stream.indirect_vreg.gather [hbm4b:s5+s3], $0x80, v4, vm0, $0xb8;
	[tilespmem:$0x10200] =	vst v63  }
0x133: {  	s13 =	simm.s32 $0xDA00  }
0x134: {  	[tilespmem:s13], [sflag:$0x2] =	stream.indirect_vreg.gather [hbm4b:s6+s3], $0x80, v4, vm0, $0xb8;
	[tilespmem:$0x10200] =	vst v63  }
0x135: {  	s14 =	simm.s32 $0xE200  }
0x136: {  	[tilespmem:s14], [sflag:$0x2] =	stream.indirect_vreg.gather [hbm4b:s2+s3], $0x80, v3, vm0, $0xb8;
	[tilespmem:$0x10200] =	vst v63  }
0x137: {  	s30 =	simm.s32 $0xEA00  }
0x138: {  	[tilespmem:s30], [sflag:$0x2] =	stream.indirect_vreg.gather [hbm4b:s4+s3], $0x80, v3, vm0, $0xb8;
	[tilespmem:$0x10200] =	vst v63  }
0x139: {  	s31 =	simm.s32 $0xF200  }
0x13a: {  	[tilespmem:s31], [sflag:$0x2] =	stream.indirect_vreg.gather [hbm4b:s5+s3], $0x80, v3, vm0, $0xb8;
	[tilespmem:$0x10200] =	vst v63  }
0x13b: {  	s11 =	simm.s32 $0xFA00  }
0x13c: {  	[tilespmem:s11], [sflag:$0x2] =	stream.indirect_vreg.gather [hbm4b:s6+s3], $0x80, v3, vm0, $0xb8;
	[tilespmem:$0x10200] =	vst v63  }
0x13d: {  	_ =	swait.ge [sflag:s17], $0x8000  }
0x13e: {  	[sflag:s17] =	ssyncset.done $0x0  }
0x13f: {  	s21 =	rddreg [dreg:$0x8];
	[sflag:s17] =	ssyncadd.s32 $0xFFFF8000  }
0x140: {  	[hbm4b:s21+s3] =	stream.linear.scatter [tilespmem:s9], [sflag:$0x3], $0x8000, $0x38;
	[tilespmem:$0x10200] =	vst v63  }
0x141: {  	_ =	swait.ge [sflag:s18], $0x8000  }
0x142: {  	[sflag:s18] =	ssyncset.done $0x0  }
0x143: {  	[sflag:s18] =	ssyncadd.s32 $0xFFFF8000  }
0x144: {  	v3 =	vld [tilespmem:$0xC0];
	_ =	sdelay $0x4  }
0x145: {  	v44 =	vshll.u32 v3, $0x3  }
0x146: {  	v3 =	vand.u32 $0x7, v3;
	v4 =	vand.u32 $0xFFFFFFC0, v44  }
0x147: {  	v3 =	vor.u32 v3, v4  }
0x148: {  	v4 =	vperm.xlane v3, v0;
	_ =	sdelay $0x1  }
0x149: {  	v4 =	vadd.s32 v1, v4;
	_ =	sdelay $0x4  }
0x14a: {  	[tilespmem:s9], [sflag:$0x1] =	stream.indirect_vreg.gather [hbm4b:s2+s3], $0x80, v4, vm0, $0xb8;
	[tilespmem:$0x10200] =	vst v63  }
0x14b: {  	s21 =	simm.s32 $0xA00;
	v3 =	vperm.xlane v3, v2  }
0x14c: {  	[tilespmem:s21], [sflag:$0x1] =	stream.indirect_vreg.gather [hbm4b:s4+s3], $0x80, v4, vm0, $0xb8;
	[tilespmem:$0x10200] =	vst v63  }
0x14d: {  	v3 =	vadd.s32 v1, v3;
	s21 =	simm.s32 $0x1200  }
0x14e: {  	[tilespmem:s21], [sflag:$0x1] =	stream.indirect_vreg.gather [hbm4b:s5+s3], $0x80, v4, vm0, $0xb8;
	[tilespmem:$0x10200] =	vst v63  }
0x14f: {  	s21 =	simm.s32 $0x1A00  }
0x150: {  	[tilespmem:s21], [sflag:$0x1] =	stream.indirect_vreg.gather [hbm4b:s6+s3], $0x80, v4, vm0, $0xb8;
	[tilespmem:$0x10200] =	vst v63  }
0x151: {  	s21 =	simm.s32 $0x2200  }
0x152: {  	[tilespmem:s21], [sflag:$0x1] =	stream.indirect_vreg.gather [hbm4b:s2+s3], $0x80, v3, vm0, $0xb8;
	[tilespmem:$0x10200] =	vst v63  }
0x153: {  	s21 =	simm.s32 $0x2A00  }
0x154: {  	[tilespmem:s21], [sflag:$0x1] =	stream.indirect_vreg.gather [hbm4b:s4+s3], $0x80, v3, vm0, $0xb8;
	[tilespmem:$0x10200] =	vst v63  }
0x155: {  	s21 =	simm.s32 $0x3200  }
0x156: {  	[tilespmem:s21], [sflag:$0x1] =	stream.indirect_vreg.gather [hbm4b:s5+s3], $0x80, v3, vm0, $0xb8;
	[tilespmem:$0x10200] =	vst v63  }
0x157: {  	s21 =	simm.s32 $0x3A00  }
0x158: {  	[tilespmem:s21], [sflag:$0x1] =	stream.indirect_vreg.gather [hbm4b:s6+s3], $0x80, v3, vm0, $0xb8;
	[tilespmem:$0x10200] =	vst v63  }
0x159: {  	v3 =	vld [tilespmem:$0xD0];
	_ =	sdelay $0x4  }
0x15a: {  	v45 =	vshll.u32 v3, $0x3  }
0x15b: {  	v3 =	vand.u32 $0x7, v3;
	v4 =	vand.u32 $0xFFFFFFC0, v45  }
0x15c: {  	v3 =	vor.u32 v3, v4  }
0x15d: {  	v4 =	vperm.xlane v3, v0;
	_ =	sdelay $0x1  }
0x15e: {  	v4 =	vadd.s32 v1, v4;
	_ =	sdelay $0x3  }
0x15f: {  	s23 =	simm.s32 $0x4200  }
0x160: {  	[tilespmem:s23], [sflag:$0x1] =	stream.indirect_vreg.gather [hbm4b:s2+s3], $0x80, v4, vm0, $0xb8;
	[tilespmem:$0x10200] =	vst v63  }
0x161: {  	s21 =	simm.s32 $0x4A00;
	v3 =	vperm.xlane v3, v2  }
0x162: {  	[tilespmem:s21], [sflag:$0x1] =	stream.indirect_vreg.gather [hbm4b:s4+s3], $0x80, v4, vm0, $0xb8;
	[tilespmem:$0x10200] =	vst v63  }
0x163: {  	s7 =	simm.s32 $0x5200;
	v3 =	vadd.s32 v1, v3  }
0x164: {  	[tilespmem:s7], [sflag:$0x1] =	stream.indirect_vreg.gather [hbm4b:s5+s3], $0x80, v4, vm0, $0xb8;
	[tilespmem:$0x10200] =	vst v63  }
0x165: {  	s8 =	simm.s32 $0x5A00  }
0x166: {  	[tilespmem:s8], [sflag:$0x1] =	stream.indirect_vreg.gather [hbm4b:s6+s3], $0x80, v4, vm0, $0xb8;
	[tilespmem:$0x10200] =	vst v63  }
0x167: {  	s29 =	simm.s32 $0x6200  }
0x168: {  	[tilespmem:s29], [sflag:$0x1] =	stream.indirect_vreg.gather [hbm4b:s2+s3], $0x80, v3, vm0, $0xb8;
	[tilespmem:$0x10200] =	vst v63  }
0x169: {  	s15 =	simm.s32 $0x6A00  }
0x16a: {  	[tilespmem:s15], [sflag:$0x1] =	stream.indirect_vreg.gather [hbm4b:s4+s3], $0x80, v3, vm0, $0xb8;
	[tilespmem:$0x10200] =	vst v63  }
0x16b: {  	s16 =	simm.s32 $0x7200  }
0x16c: {  	[tilespmem:s16], [sflag:$0x1] =	stream.indirect_vreg.gather [hbm4b:s5+s3], $0x80, v3, vm0, $0xb8;
	[tilespmem:$0x10200] =	vst v63  }
0x16d: {  	s22 =	simm.s32 $0x7A00  }
0x16e: {  	[tilespmem:s22], [sflag:$0x1] =	stream.indirect_vreg.gather [hbm4b:s6+s3], $0x80, v3, vm0, $0xb8;
	[tilespmem:$0x10200] =	vst v63  }
0x16f: {  	_ =	swait.ge [sflag:s19], $0x8000  }
0x170: {  	[sflag:s19] =	ssyncset.done $0x0  }
0x171: {  	s21 =	rddreg [dreg:$0x9];
	[sflag:s19] =	ssyncadd.s32 $0xFFFF8000  }
0x172: {  	[hbm4b:s21+s3] =	stream.linear.scatter [tilespmem:s25], [sflag:$0x4], $0x8000, $0x38;
	[tilespmem:$0x10200] =	vst v63  }
0x173: {  	_ =	swait.ge [sflag:s20], $0x8000  }
0x174: {  	[sflag:s20] =	ssyncset.done $0x0  }
0x175: {  	[sflag:s20] =	ssyncadd.s32 $0xFFFF8000  }
0x176: {  	v3 =	vld [tilespmem:$0xE0];
	_ =	sdelay $0x4  }
0x177: {  	v46 =	vshll.u32 v3, $0x3  }
0x178: {  	v3 =	vand.u32 $0x7, v3;
	v4 =	vand.u32 $0xFFFFFFC0, v46  }
0x179: {  	v3 =	vor.u32 v3, v4  }
0x17a: {  	v4 =	vperm.xlane v3, v0;
	_ =	sdelay $0x1  }
0x17b: {  	v4 =	vadd.s32 v1, v4;
	_ =	sdelay $0x4  }
0x17c: {  	[tilespmem:s25], [sflag:$0x2] =	stream.indirect_vreg.gather [hbm4b:s2+s3], $0x80, v4, vm0, $0xb8;
	[tilespmem:$0x10200] =	vst v63  }
0x17d: {  	s1 =	simm.s32 $0x8A00;
	v3 =	vperm.xlane v3, v2  }
0x17e: {  	[tilespmem:s1], [sflag:$0x2] =	stream.indirect_vreg.gather [hbm4b:s4+s3], $0x80, v4, vm0, $0xb8;
	[tilespmem:$0x10200] =	vst v63  }
0x17f: {  	s0 =	simm.s32 $0x9200;
	v3 =	vadd.s32 v1, v3  }
0x180: {  	[tilespmem:s0], [sflag:$0x2] =	stream.indirect_vreg.gather [hbm4b:s5+s3], $0x80, v4, vm0, $0xb8;
	[tilespmem:$0x10200] =	vst v63  }
0x181: {  	s21 =	simm.s32 $0x9A00  }
0x182: {  	[tilespmem:s21], [sflag:$0x2] =	stream.indirect_vreg.gather [hbm4b:s6+s3], $0x80, v4, vm0, $0xb8;
	[tilespmem:$0x10200] =	vst v63  }
0x183: {  	s10 =	simm.s32 $0xA200  }
0x184: {  	[tilespmem:s10], [sflag:$0x2] =	stream.indirect_vreg.gather [hbm4b:s2+s3], $0x80, v3, vm0, $0xb8;
	[tilespmem:$0x10200] =	vst v63  }
0x185: {  	s26 =	simm.s32 $0xAA00  }
0x186: {  	[tilespmem:s26], [sflag:$0x2] =	stream.indirect_vreg.gather [hbm4b:s4+s3], $0x80, v3, vm0, $0xb8;
	[tilespmem:$0x10200] =	vst v63  }
0x187: {  	s28 =	simm.s32 $0xB200  }
0x188: {  	[tilespmem:s28], [sflag:$0x2] =	stream.indirect_vreg.gather [hbm4b:s5+s3], $0x80, v3, vm0, $0xb8;
	[tilespmem:$0x10200] =	vst v63  }
0x189: {  	s21 =	simm.s32 $0xBA00  }
0x18a: {  	[tilespmem:s21], [sflag:$0x2] =	stream.indirect_vreg.gather [hbm4b:s6+s3], $0x80, v3, vm0, $0xb8;
	[tilespmem:$0x10200] =	vst v63  }
0x18b: {  	v3 =	vld [tilespmem:$0xF0];
	_ =	sdelay $0x4  }
0x18c: {  	v47 =	vshll.u32 v3, $0x3  }
0x18d: {  	v3 =	vand.u32 $0x7, v3;
	v4 =	vand.u32 $0xFFFFFFC0, v47  }
0x18e: {  	v3 =	vor.u32 v3, v4  }
0x18f: {  	v4 =	vperm.xlane v3, v0;
	_ =	sdelay $0x1  }
0x190: {  	v4 =	vadd.s32 v1, v4;
	_ =	sdelay $0x3  }
0x191: {  	s21 =	simm.s32 $0xC200  }
0x192: {  	[tilespmem:s21], [sflag:$0x2] =	stream.indirect_vreg.gather [hbm4b:s2+s3], $0x80, v4, vm0, $0xb8;
	[tilespmem:$0x10200] =	vst v63  }
0x193: {  	v3 =	vperm.xlane v3, v2;
	s21 =	simm.s32 $0xCA00  }
0x194: {  	[tilespmem:s21], [sflag:$0x2] =	stream.indirect_vreg.gather [hbm4b:s4+s3], $0x80, v4, vm0, $0xb8;
	[tilespmem:$0x10200] =	vst v63  }
0x195: {  	s12 =	simm.s32 $0xD200;
	v3 =	vadd.s32 v1, v3  }
0x196: {  	[tilespmem:s12], [sflag:$0x2] =	stream.indirect_vreg.gather [hbm4b:s5+s3], $0x80, v4, vm0, $0xb8;
	[tilespmem:$0x10200] =	vst v63  }
0x197: {  	s13 =	simm.s32 $0xDA00  }
0x198: {  	[tilespmem:s13], [sflag:$0x2] =	stream.indirect_vreg.gather [hbm4b:s6+s3], $0x80, v4, vm0, $0xb8;
	[tilespmem:$0x10200] =	vst v63  }
0x199: {  	s14 =	simm.s32 $0xE200  }
0x19a: {  	[tilespmem:s14], [sflag:$0x2] =	stream.indirect_vreg.gather [hbm4b:s2+s3], $0x80, v3, vm0, $0xb8;
	[tilespmem:$0x10200] =	vst v63  }
0x19b: {  	s30 =	simm.s32 $0xEA00  }
0x19c: {  	[tilespmem:s30], [sflag:$0x2] =	stream.indirect_vreg.gather [hbm4b:s4+s3], $0x80, v3, vm0, $0xb8;
	[tilespmem:$0x10200] =	vst v63  }
0x19d: {  	s31 =	simm.s32 $0xF200  }
0x19e: {  	[tilespmem:s31], [sflag:$0x2] =	stream.indirect_vreg.gather [hbm4b:s5+s3], $0x80, v3, vm0, $0xb8;
	[tilespmem:$0x10200] =	vst v63  }
0x19f: {  	s11 =	simm.s32 $0xFA00  }
0x1a0: {  	[tilespmem:s11], [sflag:$0x2] =	stream.indirect_vreg.gather [hbm4b:s6+s3], $0x80, v3, vm0, $0xb8;
	[tilespmem:$0x10200] =	vst v63  }
0x1a1: {  	_ =	swait.ge [sflag:s17], $0x8000  }
0x1a2: {  	[sflag:s17] =	ssyncset.done $0x0  }
0x1a3: {  	s21 =	rddreg [dreg:$0xa];
	[sflag:s17] =	ssyncadd.s32 $0xFFFF8000  }
0x1a4: {  	[hbm4b:s21+s3] =	stream.linear.scatter [tilespmem:s9], [sflag:$0x3], $0x8000, $0x38;
	[tilespmem:$0x10200] =	vst v63  }
0x1a5: {  	_ =	swait.ge [sflag:s18], $0x8000  }
0x1a6: {  	[sflag:s18] =	ssyncset.done $0x0  }
0x1a7: {  	[sflag:s18] =	ssyncadd.s32 $0xFFFF8000  }
0x1a8: {  	v3 =	vld [tilespmem:$0x100];
	_ =	sdelay $0x4  }
0x1a9: {  	v48 =	vshll.u32 v3, $0x3  }
0x1aa: {  	v3 =	vand.u32 $0x7, v3;
	v4 =	vand.u32 $0xFFFFFFC0, v48  }
0x1ab: {  	v3 =	vor.u32 v3, v4  }
0x1ac: {  	v4 =	vperm.xlane v3, v0;
	_ =	sdelay $0x1  }
0x1ad: {  	v4 =	vadd.s32 v1, v4;
	_ =	sdelay $0x4  }
0x1ae: {  	[tilespmem:s9], [sflag:$0x1] =	stream.indirect_vreg.gather [hbm4b:s2+s3], $0x80, v4, vm0, $0xb8;
	[tilespmem:$0x10200] =	vst v63  }
0x1af: {  	s21 =	simm.s32 $0xA00;
	v3 =	vperm.xlane v3, v2  }
0x1b0: {  	[tilespmem:s21], [sflag:$0x1] =	stream.indirect_vreg.gather [hbm4b:s4+s3], $0x80, v4, vm0, $0xb8;
	[tilespmem:$0x10200] =	vst v63  }
0x1b1: {  	v3 =	vadd.s32 v1, v3;
	s21 =	simm.s32 $0x1200  }
0x1b2: {  	[tilespmem:s21], [sflag:$0x1] =	stream.indirect_vreg.gather [hbm4b:s5+s3], $0x80, v4, vm0, $0xb8;
	[tilespmem:$0x10200] =	vst v63  }
0x1b3: {  	s21 =	simm.s32 $0x1A00  }
0x1b4: {  	[tilespmem:s21], [sflag:$0x1] =	stream.indirect_vreg.gather [hbm4b:s6+s3], $0x80, v4, vm0, $0xb8;
	[tilespmem:$0x10200] =	vst v63  }
0x1b5: {  	s21 =	simm.s32 $0x2200  }
0x1b6: {  	[tilespmem:s21], [sflag:$0x1] =	stream.indirect_vreg.gather [hbm4b:s2+s3], $0x80, v3, vm0, $0xb8;
	[tilespmem:$0x10200] =	vst v63  }
0x1b7: {  	s21 =	simm.s32 $0x2A00  }
0x1b8: {  	[tilespmem:s21], [sflag:$0x1] =	stream.indirect_vreg.gather [hbm4b:s4+s3], $0x80, v3, vm0, $0xb8;
	[tilespmem:$0x10200] =	vst v63  }
0x1b9: {  	s21 =	simm.s32 $0x3200  }
0x1ba: {  	[tilespmem:s21], [sflag:$0x1] =	stream.indirect_vreg.gather [hbm4b:s5+s3], $0x80, v3, vm0, $0xb8;
	[tilespmem:$0x10200] =	vst v63  }
0x1bb: {  	s21 =	simm.s32 $0x3A00  }
0x1bc: {  	[tilespmem:s21], [sflag:$0x1] =	stream.indirect_vreg.gather [hbm4b:s6+s3], $0x80, v3, vm0, $0xb8;
	[tilespmem:$0x10200] =	vst v63  }
0x1bd: {  	v3 =	vld [tilespmem:$0x110];
	_ =	sdelay $0x4  }
0x1be: {  	v49 =	vshll.u32 v3, $0x3  }
0x1bf: {  	v3 =	vand.u32 $0x7, v3;
	v4 =	vand.u32 $0xFFFFFFC0, v49  }
0x1c0: {  	v3 =	vor.u32 v3, v4  }
0x1c1: {  	v4 =	vperm.xlane v3, v0;
	_ =	sdelay $0x1  }
0x1c2: {  	v4 =	vadd.s32 v1, v4;
	_ =	sdelay $0x3  }
0x1c3: {  	s23 =	simm.s32 $0x4200  }
0x1c4: {  	[tilespmem:s23], [sflag:$0x1] =	stream.indirect_vreg.gather [hbm4b:s2+s3], $0x80, v4, vm0, $0xb8;
	[tilespmem:$0x10200] =	vst v63  }
0x1c5: {  	s21 =	simm.s32 $0x4A00;
	v3 =	vperm.xlane v3, v2  }
0x1c6: {  	[tilespmem:s21], [sflag:$0x1] =	stream.indirect_vreg.gather [hbm4b:s4+s3], $0x80, v4, vm0, $0xb8;
	[tilespmem:$0x10200] =	vst v63  }
0x1c7: {  	s7 =	simm.s32 $0x5200;
	v3 =	vadd.s32 v1, v3  }
0x1c8: {  	[tilespmem:s7], [sflag:$0x1] =	stream.indirect_vreg.gather [hbm4b:s5+s3], $0x80, v4, vm0, $0xb8;
	[tilespmem:$0x10200] =	vst v63  }
0x1c9: {  	s8 =	simm.s32 $0x5A00  }
0x1ca: {  	[tilespmem:s8], [sflag:$0x1] =	stream.indirect_vreg.gather [hbm4b:s6+s3], $0x80, v4, vm0, $0xb8;
	[tilespmem:$0x10200] =	vst v63  }
0x1cb: {  	s29 =	simm.s32 $0x6200  }
0x1cc: {  	[tilespmem:s29], [sflag:$0x1] =	stream.indirect_vreg.gather [hbm4b:s2+s3], $0x80, v3, vm0, $0xb8;
	[tilespmem:$0x10200] =	vst v63  }
0x1cd: {  	s15 =	simm.s32 $0x6A00  }
0x1ce: {  	[tilespmem:s15], [sflag:$0x1] =	stream.indirect_vreg.gather [hbm4b:s4+s3], $0x80, v3, vm0, $0xb8;
	[tilespmem:$0x10200] =	vst v63  }
0x1cf: {  	s16 =	simm.s32 $0x7200  }
0x1d0: {  	[tilespmem:s16], [sflag:$0x1] =	stream.indirect_vreg.gather [hbm4b:s5+s3], $0x80, v3, vm0, $0xb8;
	[tilespmem:$0x10200] =	vst v63  }
0x1d1: {  	s22 =	simm.s32 $0x7A00  }
0x1d2: {  	[tilespmem:s22], [sflag:$0x1] =	stream.indirect_vreg.gather [hbm4b:s6+s3], $0x80, v3, vm0, $0xb8;
	[tilespmem:$0x10200] =	vst v63  }
0x1d3: {  	_ =	swait.ge [sflag:s19], $0x8000  }
0x1d4: {  	[sflag:s19] =	ssyncset.done $0x0  }
0x1d5: {  	s21 =	rddreg [dreg:$0xb];
	[sflag:s19] =	ssyncadd.s32 $0xFFFF8000  }
0x1d6: {  	[hbm4b:s21+s3] =	stream.linear.scatter [tilespmem:s25], [sflag:$0x4], $0x8000, $0x38;
	[tilespmem:$0x10200] =	vst v63  }
0x1d7: {  	_ =	swait.ge [sflag:s20], $0x8000  }
0x1d8: {  	[sflag:s20] =	ssyncset.done $0x0  }
0x1d9: {  	[sflag:s20] =	ssyncadd.s32 $0xFFFF8000  }
0x1da: {  	v3 =	vld [tilespmem:$0x120];
	_ =	sdelay $0x4  }
0x1db: {  	v50 =	vshll.u32 v3, $0x3  }
0x1dc: {  	v3 =	vand.u32 $0x7, v3;
	v4 =	vand.u32 $0xFFFFFFC0, v50  }
0x1dd: {  	v3 =	vor.u32 v3, v4  }
0x1de: {  	v4 =	vperm.xlane v3, v0;
	_ =	sdelay $0x1  }
0x1df: {  	v4 =	vadd.s32 v1, v4;
	_ =	sdelay $0x4  }
0x1e0: {  	[tilespmem:s25], [sflag:$0x2] =	stream.indirect_vreg.gather [hbm4b:s2+s3], $0x80, v4, vm0, $0xb8;
	[tilespmem:$0x10200] =	vst v63  }
0x1e1: {  	s1 =	simm.s32 $0x8A00;
	v3 =	vperm.xlane v3, v2  }
0x1e2: {  	[tilespmem:s1], [sflag:$0x2] =	stream.indirect_vreg.gather [hbm4b:s4+s3], $0x80, v4, vm0, $0xb8;
	[tilespmem:$0x10200] =	vst v63  }
0x1e3: {  	s0 =	simm.s32 $0x9200;
	v3 =	vadd.s32 v1, v3  }
0x1e4: {  	[tilespmem:s0], [sflag:$0x2] =	stream.indirect_vreg.gather [hbm4b:s5+s3], $0x80, v4, vm0, $0xb8;
	[tilespmem:$0x10200] =	vst v63  }
0x1e5: {  	s21 =	simm.s32 $0x9A00  }
0x1e6: {  	[tilespmem:s21], [sflag:$0x2] =	stream.indirect_vreg.gather [hbm4b:s6+s3], $0x80, v4, vm0, $0xb8;
	[tilespmem:$0x10200] =	vst v63  }
0x1e7: {  	s10 =	simm.s32 $0xA200  }
0x1e8: {  	[tilespmem:s10], [sflag:$0x2] =	stream.indirect_vreg.gather [hbm4b:s2+s3], $0x80, v3, vm0, $0xb8;
	[tilespmem:$0x10200] =	vst v63  }
0x1e9: {  	s26 =	simm.s32 $0xAA00  }
0x1ea: {  	[tilespmem:s26], [sflag:$0x2] =	stream.indirect_vreg.gather [hbm4b:s4+s3], $0x80, v3, vm0, $0xb8;
	[tilespmem:$0x10200] =	vst v63  }
0x1eb: {  	s28 =	simm.s32 $0xB200  }
0x1ec: {  	[tilespmem:s28], [sflag:$0x2] =	stream.indirect_vreg.gather [hbm4b:s5+s3], $0x80, v3, vm0, $0xb8;
	[tilespmem:$0x10200] =	vst v63  }
0x1ed: {  	s21 =	simm.s32 $0xBA00  }
0x1ee: {  	[tilespmem:s21], [sflag:$0x2] =	stream.indirect_vreg.gather [hbm4b:s6+s3], $0x80, v3, vm0, $0xb8;
	[tilespmem:$0x10200] =	vst v63  }
0x1ef: {  	v3 =	vld [tilespmem:$0x130];
	_ =	sdelay $0x4  }
0x1f0: {  	v51 =	vshll.u32 v3, $0x3  }
0x1f1: {  	v3 =	vand.u32 $0x7, v3;
	v4 =	vand.u32 $0xFFFFFFC0, v51  }
0x1f2: {  	v3 =	vor.u32 v3, v4  }
0x1f3: {  	v4 =	vperm.xlane v3, v0;
	_ =	sdelay $0x1  }
0x1f4: {  	v4 =	vadd.s32 v1, v4;
	_ =	sdelay $0x3  }
0x1f5: {  	s21 =	simm.s32 $0xC200  }
0x1f6: {  	[tilespmem:s21], [sflag:$0x2] =	stream.indirect_vreg.gather [hbm4b:s2+s3], $0x80, v4, vm0, $0xb8;
	[tilespmem:$0x10200] =	vst v63  }
0x1f7: {  	v3 =	vperm.xlane v3, v2;
	s21 =	simm.s32 $0xCA00  }
0x1f8: {  	[tilespmem:s21], [sflag:$0x2] =	stream.indirect_vreg.gather [hbm4b:s4+s3], $0x80, v4, vm0, $0xb8;
	[tilespmem:$0x10200] =	vst v63  }
0x1f9: {  	s12 =	simm.s32 $0xD200;
	v3 =	vadd.s32 v1, v3  }
0x1fa: {  	[tilespmem:s12], [sflag:$0x2] =	stream.indirect_vreg.gather [hbm4b:s5+s3], $0x80, v4, vm0, $0xb8;
	[tilespmem:$0x10200] =	vst v63  }
0x1fb: {  	s13 =	simm.s32 $0xDA00  }
0x1fc: {  	[tilespmem:s13], [sflag:$0x2] =	stream.indirect_vreg.gather [hbm4b:s6+s3], $0x80, v4, vm0, $0xb8;
	[tilespmem:$0x10200] =	vst v63  }
0x1fd: {  	s14 =	simm.s32 $0xE200  }
0x1fe: {  	[tilespmem:s14], [sflag:$0x2] =	stream.indirect_vreg.gather [hbm4b:s2+s3], $0x80, v3, vm0, $0xb8;
	[tilespmem:$0x10200] =	vst v63  }
0x1ff: {  	s30 =	simm.s32 $0xEA00  }
0x200: {  	[tilespmem:s30], [sflag:$0x2] =	stream.indirect_vreg.gather [hbm4b:s4+s3], $0x80, v3, vm0, $0xb8;
	[tilespmem:$0x10200] =	vst v63  }
0x201: {  	s31 =	simm.s32 $0xF200  }
0x202: {  	[tilespmem:s31], [sflag:$0x2] =	stream.indirect_vreg.gather [hbm4b:s5+s3], $0x80, v3, vm0, $0xb8;
	[tilespmem:$0x10200] =	vst v63  }
0x203: {  	s11 =	simm.s32 $0xFA00  }
0x204: {  	[tilespmem:s11], [sflag:$0x2] =	stream.indirect_vreg.gather [hbm4b:s6+s3], $0x80, v3, vm0, $0xb8;
	[tilespmem:$0x10200] =	vst v63  }
0x205: {  	_ =	swait.ge [sflag:s17], $0x8000  }
0x206: {  	[sflag:s17] =	ssyncset.done $0x0  }
0x207: {  	s21 =	rddreg [dreg:$0xc];
	[sflag:s17] =	ssyncadd.s32 $0xFFFF8000  }
0x208: {  	[hbm4b:s21+s3] =	stream.linear.scatter [tilespmem:s9], [sflag:$0x3], $0x8000, $0x38;
	[tilespmem:$0x10200] =	vst v63  }
0x209: {  	_ =	swait.ge [sflag:s18], $0x8000  }
0x20a: {  	[sflag:s18] =	ssyncset.done $0x0  }
0x20b: {  	[sflag:s18] =	ssyncadd.s32 $0xFFFF8000  }
0x20c: {  	v3 =	vld [tilespmem:$0x140];
	_ =	sdelay $0x4  }
0x20d: {  	v52 =	vshll.u32 v3, $0x3  }
0x20e: {  	v3 =	vand.u32 $0x7, v3;
	v4 =	vand.u32 $0xFFFFFFC0, v52  }
0x20f: {  	v3 =	vor.u32 v3, v4  }
0x210: {  	v4 =	vperm.xlane v3, v0;
	_ =	sdelay $0x1  }
0x211: {  	v4 =	vadd.s32 v1, v4;
	_ =	sdelay $0x4  }
0x212: {  	[tilespmem:s9], [sflag:$0x1] =	stream.indirect_vreg.gather [hbm4b:s2+s3], $0x80, v4, vm0, $0xb8;
	[tilespmem:$0x10200] =	vst v63  }
0x213: {  	s21 =	simm.s32 $0xA00;
	v3 =	vperm.xlane v3, v2  }
0x214: {  	[tilespmem:s21], [sflag:$0x1] =	stream.indirect_vreg.gather [hbm4b:s4+s3], $0x80, v4, vm0, $0xb8;
	[tilespmem:$0x10200] =	vst v63  }
0x215: {  	v3 =	vadd.s32 v1, v3;
	s21 =	simm.s32 $0x1200  }
0x216: {  	[tilespmem:s21], [sflag:$0x1] =	stream.indirect_vreg.gather [hbm4b:s5+s3], $0x80, v4, vm0, $0xb8;
	[tilespmem:$0x10200] =	vst v63  }
0x217: {  	s21 =	simm.s32 $0x1A00  }
0x218: {  	[tilespmem:s21], [sflag:$0x1] =	stream.indirect_vreg.gather [hbm4b:s6+s3], $0x80, v4, vm0, $0xb8;
	[tilespmem:$0x10200] =	vst v63  }
0x219: {  	s21 =	simm.s32 $0x2200  }
0x21a: {  	[tilespmem:s21], [sflag:$0x1] =	stream.indirect_vreg.gather [hbm4b:s2+s3], $0x80, v3, vm0, $0xb8;
	[tilespmem:$0x10200] =	vst v63  }
0x21b: {  	s21 =	simm.s32 $0x2A00  }
0x21c: {  	[tilespmem:s21], [sflag:$0x1] =	stream.indirect_vreg.gather [hbm4b:s4+s3], $0x80, v3, vm0, $0xb8;
	[tilespmem:$0x10200] =	vst v63  }
0x21d: {  	s21 =	simm.s32 $0x3200  }
0x21e: {  	[tilespmem:s21], [sflag:$0x1] =	stream.indirect_vreg.gather [hbm4b:s5+s3], $0x80, v3, vm0, $0xb8;
	[tilespmem:$0x10200] =	vst v63  }
0x21f: {  	s21 =	simm.s32 $0x3A00  }
0x220: {  	[tilespmem:s21], [sflag:$0x1] =	stream.indirect_vreg.gather [hbm4b:s6+s3], $0x80, v3, vm0, $0xb8;
	[tilespmem:$0x10200] =	vst v63  }
0x221: {  	v3 =	vld [tilespmem:$0x150];
	_ =	sdelay $0x4  }
0x222: {  	v53 =	vshll.u32 v3, $0x3  }
0x223: {  	v3 =	vand.u32 $0x7, v3;
	v4 =	vand.u32 $0xFFFFFFC0, v53  }
0x224: {  	v3 =	vor.u32 v3, v4  }
0x225: {  	v4 =	vperm.xlane v3, v0;
	_ =	sdelay $0x1  }
0x226: {  	v4 =	vadd.s32 v1, v4;
	_ =	sdelay $0x3  }
0x227: {  	s23 =	simm.s32 $0x4200  }
0x228: {  	[tilespmem:s23], [sflag:$0x1] =	stream.indirect_vreg.gather [hbm4b:s2+s3], $0x80, v4, vm0, $0xb8;
	[tilespmem:$0x10200] =	vst v63  }
0x229: {  	s21 =	simm.s32 $0x4A00;
	v3 =	vperm.xlane v3, v2  }
0x22a: {  	[tilespmem:s21], [sflag:$0x1] =	stream.indirect_vreg.gather [hbm4b:s4+s3], $0x80, v4, vm0, $0xb8;
	[tilespmem:$0x10200] =	vst v63  }
0x22b: {  	s7 =	simm.s32 $0x5200;
	v3 =	vadd.s32 v1, v3  }
0x22c: {  	[tilespmem:s7], [sflag:$0x1] =	stream.indirect_vreg.gather [hbm4b:s5+s3], $0x80, v4, vm0, $0xb8;
	[tilespmem:$0x10200] =	vst v63  }
0x22d: {  	s8 =	simm.s32 $0x5A00  }
0x22e: {  	[tilespmem:s8], [sflag:$0x1] =	stream.indirect_vreg.gather [hbm4b:s6+s3], $0x80, v4, vm0, $0xb8;
	[tilespmem:$0x10200] =	vst v63  }
0x22f: {  	s29 =	simm.s32 $0x6200  }
0x230: {  	[tilespmem:s29], [sflag:$0x1] =	stream.indirect_vreg.gather [hbm4b:s2+s3], $0x80, v3, vm0, $0xb8;
	[tilespmem:$0x10200] =	vst v63  }
0x231: {  	s15 =	simm.s32 $0x6A00  }
0x232: {  	[tilespmem:s15], [sflag:$0x1] =	stream.indirect_vreg.gather [hbm4b:s4+s3], $0x80, v3, vm0, $0xb8;
	[tilespmem:$0x10200] =	vst v63  }
0x233: {  	s16 =	simm.s32 $0x7200  }
0x234: {  	[tilespmem:s16], [sflag:$0x1] =	stream.indirect_vreg.gather [hbm4b:s5+s3], $0x80, v3, vm0, $0xb8;
	[tilespmem:$0x10200] =	vst v63  }
0x235: {  	s22 =	simm.s32 $0x7A00  }
0x236: {  	[tilespmem:s22], [sflag:$0x1] =	stream.indirect_vreg.gather [hbm4b:s6+s3], $0x80, v3, vm0, $0xb8;
	[tilespmem:$0x10200] =	vst v63  }
0x237: {  	_ =	swait.ge [sflag:s19], $0x8000  }
0x238: {  	[sflag:s19] =	ssyncset.done $0x0  }
0x239: {  	s7 =	rddreg [dreg:$0xd];
	[sflag:s19] =	ssyncadd.s32 $0xFFFF8000  }
0x23a: {  	[hbm4b:s7+s3] =	stream.linear.scatter [tilespmem:s25], [sflag:$0x4], $0x8000, $0x38;
	[tilespmem:$0x10200] =	vst v63  }
0x23b: {  	_ =	swait.ge [sflag:s20], $0x8000  }
0x23c: {  	[sflag:s20] =	ssyncset.done $0x0  }
0x23d: {  	[sflag:s20] =	ssyncadd.s32 $0xFFFF8000  }
0x23e: {  	v3 =	vld [tilespmem:$0x160];
	_ =	sdelay $0x4  }
0x23f: {  	v54 =	vshll.u32 v3, $0x3  }
0x240: {  	v3 =	vand.u32 $0x7, v3;
	v4 =	vand.u32 $0xFFFFFFC0, v54  }
0x241: {  	v3 =	vor.u32 v3, v4  }
0x242: {  	v4 =	vperm.xlane v3, v0;
	_ =	sdelay $0x1  }
0x243: {  	v4 =	vadd.s32 v1, v4;
	_ =	sdelay $0x4  }
0x244: {  	[tilespmem:s25], [sflag:$0x2] =	stream.indirect_vreg.gather [hbm4b:s2+s3], $0x80, v4, vm0, $0xb8;
	[tilespmem:$0x10200] =	vst v63  }
0x245: {  	s1 =	simm.s32 $0x8A00;
	v3 =	vperm.xlane v3, v2  }
0x246: {  	[tilespmem:s1], [sflag:$0x2] =	stream.indirect_vreg.gather [hbm4b:s4+s3], $0x80, v4, vm0, $0xb8;
	[tilespmem:$0x10200] =	vst v63  }
0x247: {  	s0 =	simm.s32 $0x9200;
	v3 =	vadd.s32 v1, v3  }
0x248: {  	[tilespmem:s0], [sflag:$0x2] =	stream.indirect_vreg.gather [hbm4b:s5+s3], $0x80, v4, vm0, $0xb8;
	[tilespmem:$0x10200] =	vst v63  }
0x249: {  	s21 =	simm.s32 $0x9A00  }
0x24a: {  	[tilespmem:s21], [sflag:$0x2] =	stream.indirect_vreg.gather [hbm4b:s6+s3], $0x80, v4, vm0, $0xb8;
	[tilespmem:$0x10200] =	vst v63  }
0x24b: {  	s10 =	simm.s32 $0xA200  }
0x24c: {  	[tilespmem:s10], [sflag:$0x2] =	stream.indirect_vreg.gather [hbm4b:s2+s3], $0x80, v3, vm0, $0xb8;
	[tilespmem:$0x10200] =	vst v63  }
0x24d: {  	s26 =	simm.s32 $0xAA00  }
0x24e: {  	[tilespmem:s26], [sflag:$0x2] =	stream.indirect_vreg.gather [hbm4b:s4+s3], $0x80, v3, vm0, $0xb8;
	[tilespmem:$0x10200] =	vst v63  }
0x24f: {  	s28 =	simm.s32 $0xB200  }
0x250: {  	[tilespmem:s28], [sflag:$0x2] =	stream.indirect_vreg.gather [hbm4b:s5+s3], $0x80, v3, vm0, $0xb8;
	[tilespmem:$0x10200] =	vst v63  }
0x251: {  	s21 =	simm.s32 $0xBA00  }
0x252: {  	[tilespmem:s21], [sflag:$0x2] =	stream.indirect_vreg.gather [hbm4b:s6+s3], $0x80, v3, vm0, $0xb8;
	[tilespmem:$0x10200] =	vst v63  }
0x253: {  	v3 =	vld [tilespmem:$0x170];
	_ =	sdelay $0x4  }
0x254: {  	v55 =	vshll.u32 v3, $0x3  }
0x255: {  	v3 =	vand.u32 $0x7, v3;
	v4 =	vand.u32 $0xFFFFFFC0, v55  }
0x256: {  	v3 =	vor.u32 v3, v4  }
0x257: {  	v4 =	vperm.xlane v3, v0;
	_ =	sdelay $0x1  }
0x258: {  	v4 =	vadd.s32 v1, v4;
	_ =	sdelay $0x3  }
0x259: {  	s10 =	simm.s32 $0xC200  }
0x25a: {  	[tilespmem:s10], [sflag:$0x2] =	stream.indirect_vreg.gather [hbm4b:s2+s3], $0x80, v4, vm0, $0xb8;
	[tilespmem:$0x10200] =	vst v63  }
0x25b: {  	s21 =	simm.s32 $0xCA00;
	v3 =	vperm.xlane v3, v2  }
0x25c: {  	[tilespmem:s21], [sflag:$0x2] =	stream.indirect_vreg.gather [hbm4b:s4+s3], $0x80, v4, vm0, $0xb8;
	[tilespmem:$0x10200] =	vst v63  }
0x25d: {  	s12 =	simm.s32 $0xD200;
	v3 =	vadd.s32 v1, v3  }
0x25e: {  	[tilespmem:s12], [sflag:$0x2] =	stream.indirect_vreg.gather [hbm4b:s5+s3], $0x80, v4, vm0, $0xb8;
	[tilespmem:$0x10200] =	vst v63  }
0x25f: {  	s13 =	simm.s32 $0xDA00  }
0x260: {  	[tilespmem:s13], [sflag:$0x2] =	stream.indirect_vreg.gather [hbm4b:s6+s3], $0x80, v4, vm0, $0xb8;
	[tilespmem:$0x10200] =	vst v63  }
0x261: {  	s14 =	simm.s32 $0xE200  }
0x262: {  	[tilespmem:s14], [sflag:$0x2] =	stream.indirect_vreg.gather [hbm4b:s2+s3], $0x80, v3, vm0, $0xb8;
	[tilespmem:$0x10200] =	vst v63  }
0x263: {  	s30 =	simm.s32 $0xEA00  }
0x264: {  	[tilespmem:s30], [sflag:$0x2] =	stream.indirect_vreg.gather [hbm4b:s4+s3], $0x80, v3, vm0, $0xb8;
	[tilespmem:$0x10200] =	vst v63  }
0x265: {  	s31 =	simm.s32 $0xF200  }
0x266: {  	[tilespmem:s31], [sflag:$0x2] =	stream.indirect_vreg.gather [hbm4b:s5+s3], $0x80, v3, vm0, $0xb8;
	[tilespmem:$0x10200] =	vst v63  }
0x267: {  	s11 =	simm.s32 $0xFA00  }
0x268: {  	[tilespmem:s11], [sflag:$0x2] =	stream.indirect_vreg.gather [hbm4b:s6+s3], $0x80, v3, vm0, $0xb8;
	[tilespmem:$0x10200] =	vst v63  }
0x269: {  	_ =	swait.ge [sflag:s17], $0x8000  }
0x26a: {  	[sflag:s17] =	ssyncset.done $0x0  }
0x26b: {  	s7 =	rddreg [dreg:$0xe];
	[sflag:s17] =	ssyncadd.s32 $0xFFFF8000  }
0x26c: {  	[hbm4b:s7+s3] =	stream.linear.scatter [tilespmem:s9], [sflag:$0x3], $0x8000, $0x38;
	[tilespmem:$0x10200] =	vst v63  }
0x26d: {  	_ =	swait.ge [sflag:s18], $0x8000  }
0x26e: {  	[sflag:s18] =	ssyncset.done $0x0  }
0x26f: {  	[sflag:s18] =	ssyncadd.s32 $0xFFFF8000  }
0x270: {  	v3 =	vld [tilespmem:$0x180];
	_ =	sdelay $0x4  }
0x271: {  	v56 =	vshll.u32 v3, $0x3  }
0x272: {  	v3 =	vand.u32 $0x7, v3;
	v4 =	vand.u32 $0xFFFFFFC0, v56  }
0x273: {  	v3 =	vor.u32 v3, v4  }
0x274: {  	v4 =	vperm.xlane v3, v0;
	_ =	sdelay $0x1  }
0x275: {  	v4 =	vadd.s32 v1, v4;
	_ =	sdelay $0x4  }
0x276: {  	[tilespmem:s9], [sflag:$0x1] =	stream.indirect_vreg.gather [hbm4b:s2+s3], $0x80, v4, vm0, $0xb8;
	[tilespmem:$0x10200] =	vst v63  }
0x277: {  	s10 =	simm.s32 $0xA00;
	v3 =	vperm.xlane v3, v2  }
0x278: {  	[tilespmem:s10], [sflag:$0x1] =	stream.indirect_vreg.gather [hbm4b:s4+s3], $0x80, v4, vm0, $0xb8;
	[tilespmem:$0x10200] =	vst v63  }
0x279: {  	s11 =	simm.s32 $0x1200;
	v3 =	vadd.s32 v1, v3  }
0x27a: {  	[tilespmem:s11], [sflag:$0x1] =	stream.indirect_vreg.gather [hbm4b:s5+s3], $0x80, v4, vm0, $0xb8;
	[tilespmem:$0x10200] =	vst v63  }
0x27b: {  	s21 =	simm.s32 $0x1A00  }
0x27c: {  	[tilespmem:s21], [sflag:$0x1] =	stream.indirect_vreg.gather [hbm4b:s6+s3], $0x80, v4, vm0, $0xb8;
	[tilespmem:$0x10200] =	vst v63  }
0x27d: {  	s31 =	simm.s32 $0x2200  }
0x27e: {  	[tilespmem:s31], [sflag:$0x1] =	stream.indirect_vreg.gather [hbm4b:s2+s3], $0x80, v3, vm0, $0xb8;
	[tilespmem:$0x10200] =	vst v63  }
0x27f: {  	s10 =	simm.s32 $0x2A00  }
0x280: {  	[tilespmem:s10], [sflag:$0x1] =	stream.indirect_vreg.gather [hbm4b:s4+s3], $0x80, v3, vm0, $0xb8;
	[tilespmem:$0x10200] =	vst v63  }
0x281: {  	s11 =	simm.s32 $0x3200  }
0x282: {  	[tilespmem:s11], [sflag:$0x1] =	stream.indirect_vreg.gather [hbm4b:s5+s3], $0x80, v3, vm0, $0xb8;
	[tilespmem:$0x10200] =	vst v63  }
0x283: {  	s21 =	simm.s32 $0x3A00  }
0x284: {  	[tilespmem:s21], [sflag:$0x1] =	stream.indirect_vreg.gather [hbm4b:s6+s3], $0x80, v3, vm0, $0xb8;
	[tilespmem:$0x10200] =	vst v63  }
0x285: {  	v3 =	vld [tilespmem:$0x190];
	_ =	sdelay $0x4  }
0x286: {  	v57 =	vshll.u32 v3, $0x3  }
0x287: {  	v3 =	vand.u32 $0x7, v3;
	v4 =	vand.u32 $0xFFFFFFC0, v57  }
0x288: {  	v3 =	vor.u32 v3, v4  }
0x289: {  	v4 =	vperm.xlane v3, v0;
	_ =	sdelay $0x1  }
0x28a: {  	v4 =	vadd.s32 v1, v4;
	_ =	sdelay $0x3  }
0x28b: {  	s23 =	simm.s32 $0x4200  }
0x28c: {  	[tilespmem:s23], [sflag:$0x1] =	stream.indirect_vreg.gather [hbm4b:s2+s3], $0x80, v4, vm0, $0xb8;
	[tilespmem:$0x10200] =	vst v63  }
0x28d: {  	s31 =	simm.s32 $0x4A00;
	v3 =	vperm.xlane v3, v2  }
0x28e: {  	[tilespmem:s31], [sflag:$0x1] =	stream.indirect_vreg.gather [hbm4b:s4+s3], $0x80, v4, vm0, $0xb8;
	[tilespmem:$0x10200] =	vst v63  }
0x28f: {  	s10 =	simm.s32 $0x5200;
	v3 =	vadd.s32 v1, v3  }
0x290: {  	[tilespmem:s10], [sflag:$0x1] =	stream.indirect_vreg.gather [hbm4b:s5+s3], $0x80, v4, vm0, $0xb8;
	[tilespmem:$0x10200] =	vst v63  }
0x291: {  	s8 =	simm.s32 $0x5A00  }
0x292: {  	[tilespmem:s8], [sflag:$0x1] =	stream.indirect_vreg.gather [hbm4b:s6+s3], $0x80, v4, vm0, $0xb8;
	[tilespmem:$0x10200] =	vst v63  }
0x293: {  	s29 =	simm.s32 $0x6200  }
0x294: {  	[tilespmem:s29], [sflag:$0x1] =	stream.indirect_vreg.gather [hbm4b:s2+s3], $0x80, v3, vm0, $0xb8;
	[tilespmem:$0x10200] =	vst v63  }
0x295: {  	s15 =	simm.s32 $0x6A00  }
0x296: {  	[tilespmem:s15], [sflag:$0x1] =	stream.indirect_vreg.gather [hbm4b:s4+s3], $0x80, v3, vm0, $0xb8;
	[tilespmem:$0x10200] =	vst v63  }
0x297: {  	s16 =	simm.s32 $0x7200  }
0x298: {  	[tilespmem:s16], [sflag:$0x1] =	stream.indirect_vreg.gather [hbm4b:s5+s3], $0x80, v3, vm0, $0xb8;
	[tilespmem:$0x10200] =	vst v63  }
0x299: {  	s22 =	simm.s32 $0x7A00  }
0x29a: {  	[tilespmem:s22], [sflag:$0x1] =	stream.indirect_vreg.gather [hbm4b:s6+s3], $0x80, v3, vm0, $0xb8;
	[tilespmem:$0x10200] =	vst v63  }
0x29b: {  	_ =	swait.ge [sflag:s19], $0x8000  }
0x29c: {  	[sflag:s19] =	ssyncset.done $0x0  }
0x29d: {  	s11 =	rddreg [dreg:$0xf];
	[sflag:s19] =	ssyncadd.s32 $0xFFFF8000  }
0x29e: {  	[hbm4b:s11+s3] =	stream.linear.scatter [tilespmem:s25], [sflag:$0x4], $0x8000, $0x38;
	[tilespmem:$0x10200] =	vst v63  }
0x29f: {  	_ =	swait.ge [sflag:s20], $0x8000  }
0x2a0: {  	[sflag:s20] =	ssyncset.done $0x0  }
0x2a1: {  	[sflag:s20] =	ssyncadd.s32 $0xFFFF8000  }
0x2a2: {  	v3 =	vld [tilespmem:$0x1A0];
	_ =	sdelay $0x4  }
0x2a3: {  	v58 =	vshll.u32 v3, $0x3  }
0x2a4: {  	v3 =	vand.u32 $0x7, v3;
	v4 =	vand.u32 $0xFFFFFFC0, v58  }
0x2a5: {  	v3 =	vor.u32 v3, v4  }
0x2a6: {  	v4 =	vperm.xlane v3, v0;
	_ =	sdelay $0x1  }
0x2a7: {  	v4 =	vadd.s32 v1, v4;
	_ =	sdelay $0x4  }
0x2a8: {  	[tilespmem:s25], [sflag:$0x2] =	stream.indirect_vreg.gather [hbm4b:s2+s3], $0x80, v4, vm0, $0xb8;
	[tilespmem:$0x10200] =	vst v63  }
0x2a9: {  	s1 =	simm.s32 $0x8A00;
	v3 =	vperm.xlane v3, v2  }
0x2aa: {  	[tilespmem:s1], [sflag:$0x2] =	stream.indirect_vreg.gather [hbm4b:s4+s3], $0x80, v4, vm0, $0xb8;
	[tilespmem:$0x10200] =	vst v63  }
0x2ab: {  	s0 =	simm.s32 $0x9200;
	v3 =	vadd.s32 v1, v3  }
0x2ac: {  	[tilespmem:s0], [sflag:$0x2] =	stream.indirect_vreg.gather [hbm4b:s5+s3], $0x80, v4, vm0, $0xb8;
	[tilespmem:$0x10200] =	vst v63  }
0x2ad: {  	s21 =	simm.s32 $0x9A00  }
0x2ae: {  	[tilespmem:s21], [sflag:$0x2] =	stream.indirect_vreg.gather [hbm4b:s6+s3], $0x80, v4, vm0, $0xb8;
	[tilespmem:$0x10200] =	vst v63  }
0x2af: {  	s22 =	simm.s32 $0xA200  }
0x2b0: {  	[tilespmem:s22], [sflag:$0x2] =	stream.indirect_vreg.gather [hbm4b:s2+s3], $0x80, v3, vm0, $0xb8;
	[tilespmem:$0x10200] =	vst v63  }
0x2b1: {  	s26 =	simm.s32 $0xAA00  }
0x2b2: {  	[tilespmem:s26], [sflag:$0x2] =	stream.indirect_vreg.gather [hbm4b:s4+s3], $0x80, v3, vm0, $0xb8;
	[tilespmem:$0x10200] =	vst v63  }
0x2b3: {  	s28 =	simm.s32 $0xB200  }
0x2b4: {  	[tilespmem:s28], [sflag:$0x2] =	stream.indirect_vreg.gather [hbm4b:s5+s3], $0x80, v3, vm0, $0xb8;
	[tilespmem:$0x10200] =	vst v63  }
0x2b5: {  	s26 =	simm.s32 $0xBA00  }
0x2b6: {  	[tilespmem:s26], [sflag:$0x2] =	stream.indirect_vreg.gather [hbm4b:s6+s3], $0x80, v3, vm0, $0xb8;
	[tilespmem:$0x10200] =	vst v63  }
0x2b7: {  	v3 =	vld [tilespmem:$0x1B0];
	_ =	sdelay $0x4  }
0x2b8: {  	v59 =	vshll.u32 v3, $0x3  }
0x2b9: {  	v3 =	vand.u32 $0x7, v3;
	v4 =	vand.u32 $0xFFFFFFC0, v59  }
0x2ba: {  	v3 =	vor.u32 v3, v4  }
0x2bb: {  	v4 =	vperm.xlane v3, v0;
	_ =	sdelay $0x1  }
0x2bc: {  	v4 =	vadd.s32 v1, v4;
	_ =	sdelay $0x3  }
0x2bd: {  	s28 =	simm.s32 $0xC200  }
0x2be: {  	[tilespmem:s28], [sflag:$0x2] =	stream.indirect_vreg.gather [hbm4b:s2+s3], $0x80, v4, vm0, $0xb8;
	[tilespmem:$0x10200] =	vst v63  }
0x2bf: {  	s26 =	simm.s32 $0xCA00;
	v3 =	vperm.xlane v3, v2  }
0x2c0: {  	[tilespmem:s26], [sflag:$0x2] =	stream.indirect_vreg.gather [hbm4b:s4+s3], $0x80, v4, vm0, $0xb8;
	[tilespmem:$0x10200] =	vst v63  }
0x2c1: {  	s12 =	simm.s32 $0xD200;
	v3 =	vadd.s32 v1, v3  }
0x2c2: {  	[tilespmem:s12], [sflag:$0x2] =	stream.indirect_vreg.gather [hbm4b:s5+s3], $0x80, v4, vm0, $0xb8;
	[tilespmem:$0x10200] =	vst v63  }
0x2c3: {  	s13 =	simm.s32 $0xDA00  }
0x2c4: {  	[tilespmem:s13], [sflag:$0x2] =	stream.indirect_vreg.gather [hbm4b:s6+s3], $0x80, v4, vm0, $0xb8;
	[tilespmem:$0x10200] =	vst v63  }
0x2c5: {  	s14 =	simm.s32 $0xE200  }
0x2c6: {  	[tilespmem:s14], [sflag:$0x2] =	stream.indirect_vreg.gather [hbm4b:s2+s3], $0x80, v3, vm0, $0xb8;
	[tilespmem:$0x10200] =	vst v63  }
0x2c7: {  	s30 =	simm.s32 $0xEA00  }
0x2c8: {  	[tilespmem:s30], [sflag:$0x2] =	stream.indirect_vreg.gather [hbm4b:s4+s3], $0x80, v3, vm0, $0xb8;
	[tilespmem:$0x10200] =	vst v63  }
0x2c9: {  	s28 =	simm.s32 $0xF200  }
0x2ca: {  	[tilespmem:s28], [sflag:$0x2] =	stream.indirect_vreg.gather [hbm4b:s5+s3], $0x80, v3, vm0, $0xb8;
	[tilespmem:$0x10200] =	vst v63  }
0x2cb: {  	s30 =	simm.s32 $0xFA00  }
0x2cc: {  	[tilespmem:s30], [sflag:$0x2] =	stream.indirect_vreg.gather [hbm4b:s6+s3], $0x80, v3, vm0, $0xb8;
	[tilespmem:$0x10200] =	vst v63  }
0x2cd: {  	_ =	swait.ge [sflag:s17], $0x8000  }
0x2ce: {  	[sflag:s17] =	ssyncset.done $0x0  }
0x2cf: {  	s21 =	rddreg [dreg:$0x10];
	[sflag:s17] =	ssyncadd.s32 $0xFFFF8000  }
0x2d0: {  	[hbm4b:s21+s3] =	stream.linear.scatter [tilespmem:s9], [sflag:$0x3], $0x8000, $0x38;
	[tilespmem:$0x10200] =	vst v63  }
0x2d1: {  	_ =	swait.ge [sflag:s18], $0x8000  }
0x2d2: {  	[sflag:s18] =	ssyncset.done $0x0  }
0x2d3: {  	[sflag:s18] =	ssyncadd.s32 $0xFFFF8000  }
0x2d4: {  	v3 =	vld [tilespmem:$0x1C0];
	_ =	sdelay $0x4  }
0x2d5: {  	v60 =	vshll.u32 v3, $0x3  }
0x2d6: {  	v3 =	vand.u32 $0x7, v3;
	v4 =	vand.u32 $0xFFFFFFC0, v60  }
0x2d7: {  	v3 =	vor.u32 v3, v4  }
0x2d8: {  	v4 =	vperm.xlane v3, v0;
	_ =	sdelay $0x1  }
0x2d9: {  	v4 =	vadd.s32 v1, v4;
	_ =	sdelay $0x4  }
0x2da: {  	[tilespmem:s9], [sflag:$0x1] =	stream.indirect_vreg.gather [hbm4b:s2+s3], $0x80, v4, vm0, $0xb8;
	[tilespmem:$0x10200] =	vst v63  }
0x2db: {  	s21 =	simm.s32 $0xA00;
	v3 =	vperm.xlane v3, v2  }
0x2dc: {  	[tilespmem:s21], [sflag:$0x1] =	stream.indirect_vreg.gather [hbm4b:s4+s3], $0x80, v4, vm0, $0xb8;
	[tilespmem:$0x10200] =	vst v63  }
0x2dd: {  	v3 =	vadd.s32 v1, v3;
	s21 =	simm.s32 $0x1200  }
0x2de: {  	[tilespmem:s21], [sflag:$0x1] =	stream.indirect_vreg.gather [hbm4b:s5+s3], $0x80, v4, vm0, $0xb8;
	[tilespmem:$0x10200] =	vst v63  }
0x2df: {  	s21 =	simm.s32 $0x1A00  }
0x2e0: {  	[tilespmem:s21], [sflag:$0x1] =	stream.indirect_vreg.gather [hbm4b:s6+s3], $0x80, v4, vm0, $0xb8;
	[tilespmem:$0x10200] =	vst v63  }
0x2e1: {  	s21 =	simm.s32 $0x2200  }
0x2e2: {  	[tilespmem:s21], [sflag:$0x1] =	stream.indirect_vreg.gather [hbm4b:s2+s3], $0x80, v3, vm0, $0xb8;
	[tilespmem:$0x10200] =	vst v63  }
0x2e3: {  	s21 =	simm.s32 $0x2A00  }
0x2e4: {  	[tilespmem:s21], [sflag:$0x1] =	stream.indirect_vreg.gather [hbm4b:s4+s3], $0x80, v3, vm0, $0xb8;
	[tilespmem:$0x10200] =	vst v63  }
0x2e5: {  	s21 =	simm.s32 $0x3200  }
0x2e6: {  	[tilespmem:s21], [sflag:$0x1] =	stream.indirect_vreg.gather [hbm4b:s5+s3], $0x80, v3, vm0, $0xb8;
	[tilespmem:$0x10200] =	vst v63  }
0x2e7: {  	s21 =	simm.s32 $0x3A00  }
0x2e8: {  	[tilespmem:s21], [sflag:$0x1] =	stream.indirect_vreg.gather [hbm4b:s6+s3], $0x80, v3, vm0, $0xb8;
	[tilespmem:$0x10200] =	vst v63  }
0x2e9: {  	v3 =	vld [tilespmem:$0x1D0];
	_ =	sdelay $0x4  }
0x2ea: {  	v61 =	vshll.u32 v3, $0x3  }
0x2eb: {  	v3 =	vand.u32 $0x7, v3;
	v4 =	vand.u32 $0xFFFFFFC0, v61  }
0x2ec: {  	v3 =	vor.u32 v3, v4  }
0x2ed: {  	v4 =	vperm.xlane v3, v0;
	_ =	sdelay $0x1  }
0x2ee: {  	v4 =	vadd.s32 v1, v4;
	_ =	sdelay $0x3  }
0x2ef: {  	s7 =	simm.s32 $0x4200  }
0x2f0: {  	[tilespmem:s7], [sflag:$0x1] =	stream.indirect_vreg.gather [hbm4b:s2+s3], $0x80, v4, vm0, $0xb8;
	[tilespmem:$0x10200] =	vst v63  }
0x2f1: {  	s21 =	simm.s32 $0x4A00;
	v3 =	vperm.xlane v3, v2  }
0x2f2: {  	[tilespmem:s21], [sflag:$0x1] =	stream.indirect_vreg.gather [hbm4b:s4+s3], $0x80, v4, vm0, $0xb8;
	[tilespmem:$0x10200] =	vst v63  }
0x2f3: {  	s23 =	simm.s32 $0x5200;
	v3 =	vadd.s32 v1, v3  }
0x2f4: {  	[tilespmem:s23], [sflag:$0x1] =	stream.indirect_vreg.gather [hbm4b:s5+s3], $0x80, v4, vm0, $0xb8;
	[tilespmem:$0x10200] =	vst v63  }
0x2f5: {  	s8 =	simm.s32 $0x5A00  }
0x2f6: {  	[tilespmem:s8], [sflag:$0x1] =	stream.indirect_vreg.gather [hbm4b:s6+s3], $0x80, v4, vm0, $0xb8;
	[tilespmem:$0x10200] =	vst v63  }
0x2f7: {  	s10 =	simm.s32 $0x6200  }
0x2f8: {  	[tilespmem:s10], [sflag:$0x1] =	stream.indirect_vreg.gather [hbm4b:s2+s3], $0x80, v3, vm0, $0xb8;
	[tilespmem:$0x10200] =	vst v63  }
0x2f9: {  	s29 =	simm.s32 $0x6A00  }
0x2fa: {  	[tilespmem:s29], [sflag:$0x1] =	stream.indirect_vreg.gather [hbm4b:s4+s3], $0x80, v3, vm0, $0xb8;
	[tilespmem:$0x10200] =	vst v63  }
0x2fb: {  	s15 =	simm.s32 $0x7200  }
0x2fc: {  	[tilespmem:s15], [sflag:$0x1] =	stream.indirect_vreg.gather [hbm4b:s5+s3], $0x80, v3, vm0, $0xb8;
	[tilespmem:$0x10200] =	vst v63  }
0x2fd: {  	s16 =	simm.s32 $0x7A00  }
0x2fe: {  	[tilespmem:s16], [sflag:$0x1] =	stream.indirect_vreg.gather [hbm4b:s6+s3], $0x80, v3, vm0, $0xb8;
	[tilespmem:$0x10200] =	vst v63  }
0x2ff: {  	_ =	swait.ge [sflag:s19], $0x8000  }
0x300: {  	[sflag:s19] =	ssyncset.done $0x0  }
0x301: {  	s16 =	rddreg [dreg:$0x11];
	[sflag:s19] =	ssyncadd.s32 $0xFFFF8000  }
0x302: {  	[hbm4b:s16+s3] =	stream.linear.scatter [tilespmem:s25], [sflag:$0x4], $0x8000, $0x38;
	[tilespmem:$0x10200] =	vst v63  }
0x303: {  	_ =	swait.ge [sflag:s20], $0x8000  }
0x304: {  	[sflag:s20] =	ssyncset.done $0x0  }
0x305: {  	[sflag:s20] =	ssyncadd.s32 $0xFFFF8000  }
0x306: {  	v3 =	vld [tilespmem:$0x1E0];
	_ =	sdelay $0x4  }
0x307: {  	v62 =	vshll.u32 v3, $0x3  }
0x308: {  	v3 =	vand.u32 $0x7, v3;
	v4 =	vand.u32 $0xFFFFFFC0, v62  }
0x309: {  	v3 =	vor.u32 v3, v4  }
0x30a: {  	v4 =	vperm.xlane v3, v0;
	_ =	sdelay $0x1  }
0x30b: {  	v4 =	vadd.s32 v1, v4;
	_ =	sdelay $0x4  }
0x30c: {  	[tilespmem:s25], [sflag:$0x2] =	stream.indirect_vreg.gather [hbm4b:s2+s3], $0x80, v4, vm0, $0xb8;
	[tilespmem:$0x10200] =	vst v63  }
0x30d: {  	s31 =	simm.s32 $0x8A00;
	v3 =	vperm.xlane v3, v2  }
0x30e: {  	[tilespmem:s31], [sflag:$0x2] =	stream.indirect_vreg.gather [hbm4b:s4+s3], $0x80, v4, vm0, $0xb8;
	[tilespmem:$0x10200] =	vst v63  }
0x30f: {  	s11 =	simm.s32 $0x9200;
	v3 =	vadd.s32 v1, v3  }
0x310: {  	[tilespmem:s11], [sflag:$0x2] =	stream.indirect_vreg.gather [hbm4b:s5+s3], $0x80, v4, vm0, $0xb8;
	[tilespmem:$0x10200] =	vst v63  }
0x311: {  	s21 =	simm.s32 $0x9A00  }
0x312: {  	[tilespmem:s21], [sflag:$0x2] =	stream.indirect_vreg.gather [hbm4b:s6+s3], $0x80, v4, vm0, $0xb8;
	[tilespmem:$0x10200] =	vst v63  }
0x313: {  	s0 =	simm.s32 $0xA200  }
0x314: {  	[tilespmem:s0], [sflag:$0x2] =	stream.indirect_vreg.gather [hbm4b:s2+s3], $0x80, v3, vm0, $0xb8;
	[tilespmem:$0x10200] =	vst v63  }
0x315: {  	s1 =	simm.s32 $0xAA00  }
0x316: {  	[tilespmem:s1], [sflag:$0x2] =	stream.indirect_vreg.gather [hbm4b:s4+s3], $0x80, v3, vm0, $0xb8;
	[tilespmem:$0x10200] =	vst v63  }
0x317: {  	s22 =	simm.s32 $0xB200  }
0x318: {  	[tilespmem:s22], [sflag:$0x2] =	stream.indirect_vreg.gather [hbm4b:s5+s3], $0x80, v3, vm0, $0xb8;
	[tilespmem:$0x10200] =	vst v63  }
0x319: {  	s22 =	simm.s32 $0xBA00  }
0x31a: {  	[tilespmem:s22], [sflag:$0x2] =	stream.indirect_vreg.gather [hbm4b:s6+s3], $0x80, v3, vm0, $0xb8;
	[tilespmem:$0x10200] =	vst v63  }
0x31b: {  	v3 =	vld [tilespmem:$0x1F0];
	_ =	sdelay $0x4  }
0x31c: {  	v63 =	vshll.u32 v3, $0x3  }
0x31d: {  	v3 =	vand.u32 $0x7, v3;
	v4 =	vand.u32 $0xFFFFFFC0, v63  }
0x31e: {  	v3 =	vor.u32 v3, v4  }
0x31f: {  	v4 =	vperm.xlane v3, v0;
	_ =	sdelay $0x1  }
0x320: {  	v4 =	vadd.s32 v1, v4;
	_ =	sdelay $0x3  }
0x321: {  	s23 =	simm.s32 $0xC200  }
0x322: {  	[tilespmem:s23], [sflag:$0x2] =	stream.indirect_vreg.gather [hbm4b:s2+s3], $0x80, v4, vm0, $0xb8;
	[tilespmem:$0x10200] =	vst v63  }
0x323: {  	s29 =	simm.s32 $0xCA00;
	v3 =	vperm.xlane v3, v2  }
0x324: {  	[tilespmem:s29], [sflag:$0x2] =	stream.indirect_vreg.gather [hbm4b:s4+s3], $0x80, v4, vm0, $0xb8;
	[tilespmem:$0x10200] =	vst v63  }
0x325: {  	s26 =	simm.s32 $0xD200;
	v3 =	vadd.s32 v1, v3  }
0x326: {  	[tilespmem:s26], [sflag:$0x2] =	stream.indirect_vreg.gather [hbm4b:s5+s3], $0x80, v4, vm0, $0xb8;
	[tilespmem:$0x10200] =	vst v63  }
0x327: {  	s12 =	simm.s32 $0xDA00  }
0x328: {  	[tilespmem:s12], [sflag:$0x2] =	stream.indirect_vreg.gather [hbm4b:s6+s3], $0x80, v4, vm0, $0xb8;
	[tilespmem:$0x10200] =	vst v63  }
0x329: {  	s13 =	simm.s32 $0xE200  }
0x32a: {  	[tilespmem:s13], [sflag:$0x2] =	stream.indirect_vreg.gather [hbm4b:s2+s3], $0x80, v3, vm0, $0xb8;
	[tilespmem:$0x10200] =	vst v63  }
0x32b: {  	s14 =	simm.s32 $0xEA00  }
0x32c: {  	[tilespmem:s14], [sflag:$0x2] =	stream.indirect_vreg.gather [hbm4b:s4+s3], $0x80, v3, vm0, $0xb8;
	[tilespmem:$0x10200] =	vst v63  }
0x32d: {  	s28 =	simm.s32 $0xF200  }
0x32e: {  	[tilespmem:s28], [sflag:$0x2] =	stream.indirect_vreg.gather [hbm4b:s5+s3], $0x80, v3, vm0, $0xb8;
	[tilespmem:$0x10200] =	vst v63  }
0x32f: {  	s30 =	simm.s32 $0xFA00  }
0x330: {  	[tilespmem:s30], [sflag:$0x2] =	stream.indirect_vreg.gather [hbm4b:s6+s3], $0x80, v3, vm0, $0xb8;
	[tilespmem:$0x10200] =	vst v63  }
0x331: {  	_ =	swait.ge [sflag:s17], $0x8000  }
0x332: {  	[sflag:s17] =	ssyncset.done $0x0  }
0x333: {  	s30 =	rddreg [dreg:$0x12];
	[sflag:s17] =	ssyncadd.s32 $0xFFFF8000  }
0x334: {  	[hbm4b:s30+s3] =	stream.linear.scatter [tilespmem:s9], [sflag:$0x3], $0x8000, $0x38;
	[tilespmem:$0x10200] =	vst v63  }
0x335: {  	_ =	swait.ge [sflag:s19], $0x8000  }
0x336: {  	[sflag:s19] =	ssyncset.done $0x0  }
0x337: {  	s31 =	rddreg [dreg:$0x13];
	[sflag:s19] =	ssyncadd.s32 $0xFFFF8000  }
0x338: {  	[hbm4b:s31+s3] =	stream.linear.scatter [tilespmem:s25], [sflag:$0x4], $0x8000, $0x38;
	[tilespmem:$0x10200] =	vst v63  }
0x339: {  	p0 =	sne.s32 s24, $0x1;
	_ =	swait.ge [sflag:s18], $0x8000  }
.Ltmp0:
0x33a: {  	[sflag:s18] =	ssyncset.done $0x0;
	(pc) =	sbr.rel @p0 .LBB2_1-.Ltmp0, $4  }
0x33b: {  	[sflag:s18] =	ssyncadd.s32 $0xFFFF8000  }
0x33c: {  	_ =	swait.ge [sflag:s20], $0x8000  }
0x33d: {  	[sflag:s20] =	ssyncset.done $0x0  }
0x33e: {  	s24 =	sadd.s32 $0xFFFFFFFF, s24;
	[sflag:s20] =	ssyncadd.s32 $0xFFFF8000  }
0x33f: {  	_ =	sfence.sel $0x180000  }
0x340: {  	[bflag:$0x0] =	sbarrier.arrive $0xFFFF  }
0x341: {  	_ =	strace $0x90000047  }
0x342: {  	s0 =	stileid.u32;
	[bflag:$0x2] =	sbarrier.arrive $0xFFFF  }
0x343: {  	p0 =	sne.s32 s0, $0x0;
	s0 =	rddreg [dreg:$0x2]  }
0x344: {  	s0 =	sadd.s32 @!p0 $0x100000, s0  }
0x345: {  	[sflag:s0] =	ssyncadd.tile.s32 @!p0 $0x1;
	_ =	shalt  }
.Lfunc_end2:
_tile_overlayer_lowered:
.L_overlay_start_2:
0x346: {  	(tag) =	ssettag $0x2  }
0x347: {  	s0 =	rddreg [dreg:$0x0];
	s2 =	stileid.u32  }
0x348: {  	s1 =	rddreg [dreg:$0x1];
	p0 =	sne.s32 s2, $0x0  }
0x349: {  	s3 =	rddreg [dreg:$0x2];
	[bflag:$0x3] =	sbarrier.arrive $0xFFFF;
	s2 =	simm.s32 @!p0 $0x1C05  }
0x34a: {  	[timem:s3], [sflag:s2] =	dma.local @!p0 [hbm:s0], s1  }
0x34b: {  	s0 =	simm.s32 @!p0 $0x5  }
0x34c: {  	_ =	swait.ge @!p0 [sflag:s0], s1  }
0x34d: {  	s1 =	ssub.s32 @!p0 $0x0, s1;
	[sflag:s0] =	ssyncset.done @!p0 $0x0  }
0x34e: {  	[sflag:s0] =	ssyncadd.s32 @!p0 s1  }
0x34f: {  	[bflag:$0x3] =	sbarrier.arrive $0xFFFF  }
0x350: {  	_ =	shalt  }

// kernel: sparse-core-data-format-call.cloned.1.call-start
scs
called_computation_lowered:
.L_overlay_start_0:
0x0: {  	s2 =	sld [smem:$0x3FD9]  }
0x1: {  	s3 =	sld [smem:$0x3FFE];
	_ =	sdelay $0x1  }
0x2: {  	s1 =	srdreg.scid  }
0x3: {  	s0 =	sand.u32 $0x1, s1  }
0x4: {  	s18 =	sshll.u32 s0, $0xA;
	s2 =	sadd.s32 s3, s2  }
0x5: {  	s2 =	sadd.s32 s2, s18  }
0x6: {  	[smem:$0x3FC5] =	sst s2  }
0x7: {  	_ = 	snop  }
0x8: {  	s2 =	sld [smem:$0x3FD0];
	(tm) =	ssettm $0x1  }
0x9: {  	s19 =	sld [smem:$0x3FFB];
	_ =	sdelay $0x3  }
0xa: {  	_ =	strace s19  }
0xb: {  	s3 =	sld [smem:$0x3FFC];
	_ =	sdelay $0x3  }
0xc: {  	_ =	strace s3  }
0xd: {  	s3 =	sld [smem:$0x3FFD];
	_ =	sdelay $0x3  }
0xe: {  	_ =	strace s3  }
0xf: {  	_ =	strace $0x8FFFFFFF  }
0x10: {  	s20 =	sld [smem:$0x3FDB];
	_ =	sdelay $0x1  }
0x11: {  	s4 =	simm.s32 $_scs_section_size  }
0x12: {  	s5 =	simm.s32 $_size__tile_overlayer_lowered;
	s6 =	simm.s32 $_tile_overlayer_lowered  }
0x13: {  	s23 =	simm.s32 $0x1BFF;
	s22 =	sshll.u32 s6, $0x1;
	s3 =	sadd.s32 s4, s20  }
0x14: {  	s7 =	simm.s32 $0x0;
	s21 =	sshll.u32 s5, $0x1;
	s5 =	sadd.s32 s22, s3  }
0x15: {  	[timem:s7], [sflag:s23] =	dma.local [hbm:s5], s21  }
0x16: {  	_ =	swait.ge [sflag:s23], s21  }
0x17: {  	s4 =	ssub.s32 $0x0, s21;
	[sflag:s23] =	ssyncset.done $0x0  }
0x18: {  	[sflag:s23] =	ssyncadd.s32 s4;
	_ =	sdelay $0x1  }
0x19: {  	s24 =	simm.s32 $0x1B8B  }
0x1a: {  	_ =	swait.ge [sflag:s24], $0x1  }
0x1b: {  	[sflag:s24] =	ssyncset.done $0x0  }
0x1c: {  	s26 =	simm.s32 $0x1B8E;
	s25 =	sld [smem:$0x3FFE];
	[sflag:s24] =	ssyncadd.s32 $0xFFFFFFFF  }
0x1d: {  	s27 =	simm.s32 $execute0_lowered;
	[smem:$0x3FD2] =	sst s26  }
0x1e: {  	s5 =	sshll.u32 s27, $0x1;
	_ =	strace $0x80000049;
	[dreg:$0x1] =	wrdreg $0xFFFFFFFF  }
0x1f: {  	s28 =	simm.s32 $_size_execute0_lowered;
	s3 =	sadd.s32 s3, s5;
	[dreg:$0x0] =	wrdreg $0x0  }
0x20: {  	s5 =	sshll.u32 s28, $0x1;
	[dreg:$0x2] =	wrdreg s3  }
0x21: {  	[dreg:$0x3] =	wrdreg s5  }
0x22: {  	[dreg:$0x4] =	wrdreg $0xC0  }
0x23: {  	_ =	task [dreg:s7], $0x5FFFF  }
0x24: {  	[dreg:$0x1] =	wrdreg $0xFFFFFFFF  }
0x25: {  	[dreg:$0x0] =	wrdreg $0x60  }
0x26: {  	[dreg:$0x2] =	wrdreg s25  }
0x27: {  	[dreg:$0x3] =	wrdreg s2  }
0x28: {  	[dreg:$0x4] =	wrdreg $0x9  }
0x29: {  	_ =	task.clear_ibuf [dreg:s7], $0x5FFFF;
	_ =	strace $0x90000049  }
0x2a: {  	s29 =	simm.s32 $0x9;
	_ =	strace $0x8000004B  }
0x2b: {  	_ =	swait.ge [sflag:s29], $0x1  }
0x2c: {  	[sflag:s29] =	ssyncadd.s32 $0xFFFFFFFF  }
0x2d: {  	_ =	strace $0x9000004B  }
0x2e: {  	_ =	sfence  }
0x2f: {  	s30 =	sld [smem:$0x0];
	_ =	sdelay $0x2  }
0x30: {  	s31 =	sshll.u32 s1, $0xD;
	s1 =	sshrl.u32 s1, $0x2  }
0x31: {  	s3 =	sand.u32 $0x4000, s31;
	s1 =	sadd.s32 s1, s30  }
0x32: {  	s0 =	sor.u32 s3, s0;
	s1 =	sshll.u32 s1, $0x11  }
0x33: {  	s0 =	sor.u32 s1, s0  }
0x34: {  	s0 =	sadd.s32 $0x8F2B, s0  }
0x35: {  	[sflag:s0] =	ssyncadd.remote.s32 $0x1  }
0x36: {  	_ =	sfence.sel $0xFFFF  }
0x37: {  	[dreg:$0x0] =	wrdreg $0xFFFFFFFF;
	(pc) =	sbr.abs _section_cstart, $3  }
0x38: {  	[dreg:$0x1] =	wrdreg $0xFFFFFFFF  }
0x39: {  	_ =	task.clear_ibuf [dreg:s7], $0x2FFFF;
	_ =	strace $0x9FFFFFFF  }
0x3a: {  	(tm) =	ssettm $0x7FFFFFFF  }
0x3b: {  	_ =	shalt  }
tec
execute0_lowered:
.L_overlay_start_1:
0x0: {  	(tag) =	ssettag $0x1  }
0x1: {  	s0 =	srdreg.scid;
	s5 =	rddreg [dreg:$0x0]  }
0x2: {  	s3 =	rddreg [dreg:$0x1];
	s1 =	sshll.u32 s0, $0x4  }
0x3: {  	s7 =	simm.s32 $0x1;
	s0 =	stileid.u32;
	s1 =	sand.u32 $0x10, s1  }
0x4: {  	s8 =	simm.s32 $0x2;
	s15 =	simm.s32 $0x0;
	s1 =	sor.u32 s0, s1  }
0x5: {  	s14 =	simm.s32 $0x0;
	s9 =	simm.s32 $0x0;
	s2 =	sshll.u32 s1, $0x7  }
0x6: {  	s10 =	simm.s32 $0x0;
	s11 =	simm.s32 $0x0;
	s6 =	ssub.s32 $0x4000, s2  }
0x7: {  	s13 =	simm.s32 $0x0;
	s5 =	sadd.s32 $0x1200, s5;
	s4 =	sand.u32 $0xF80, s6  }
.Ltmp0:
0x8: {  	s1 =	rddreg [dreg:$0x2];
	p0 =	sne.s32 s4, $0x0;
	(pc) =	sbr.rel .LBB1_1-.Ltmp0, $4  }
0x9: {  	_ =	strace $0x8000004A;
	s6 =	sshrl.u32 s6, $0xC;
	s7 =	simm.s32 @!p0 $0x0  }
0xa: {  	s12 =	smov.u32 s2;
	s4 =	simm.s32 $0x1;
	s6 =	sadd.s32 s7, s6  }
0xb: {  	[sflag:s4] =	ssyncpa.u1 $0x0;
	p0 =	por $0x0, $0x0;
	s6 =	sshll.u32 s6, $0x3  }
0xc: {  	[sflag:s8] =	ssyncpa.u1 $0x0;
	s8 =	simm.s32 $0x20000;
	s7 =	sor.u32 $0x1, s6  }
.LBB1_4:
0xd: {  	s20 =	sshra.s32 s20, $0x2  }
0xe: {  	s28 =	sand.u32 $0x78, s10;
	s21 =	sshll.u32 s9, $0xE;
	s22 =	sshll.u32 s10, $0x3  }
0xf: {  	s24 =	sshll.u32 s9, $0x7;
	p1 =	sgt.s32 s9, $0x368;
	s30 =	sshra.s32 s9, $0x1F  }
0x10: {  	s26 =	sshra.s32 s10, $0x1F;
	s19 =	sadd.s32 s20, s19;
	s21 =	sand.u32 $0xFFFE0000, s21  }
0x11: {  	v5 =	vld [tilespmem:s17+$0xFFFFFFD0];
	[tilespmem:s18+$0x2040 ss:$0x81] =	vst.msk $0xffff, v4;
	s23 =	sand.u32 $0xFFFFFC00, s22;
	s29 =	sand.u32 $0x380, s24;
	s22 =	sand.u32 $0x3C00, s22  }
0x12: {  	v58 =	vld [tilespmem:s17+$0xFFFFFFE0];
	[tilespmem:s18+$0x2850 ss:$0x81] =	vst.msk $0xffff, v3;
	s21 =	sadd.s32 s23, s21;
	s20 =	sor.u32 s28, s22;
	s22 =	smov.u32 s9  }
0x13: {  	v59 =	vld [tilespmem:s17+$0xFFFFFFF0];
	[tilespmem:s18+$0x3060 ss:$0x81] =	vst.msk $0xffff, v2;
	s24 =	sand.u32 s30, s9;
	s21 =	sshrl.u32 s21, $0xE;
	s22 =	simm.s32 @!p1 $0x368  }
0x14: {  	v60 =	vld [tilespmem:s17+$0x0];
	[tilespmem:s18+$0x0 ss:$0x81] =	vst.msk $0xffff, v1;
	p1 =	sgt.s32 s10, $0x3F80;
	s31 =	ssub.s32 s22, s24;
	s22 =	smov.u32 s10  }
0x15: {  	v61 =	vld [tilespmem:s17+$0x10];
	[tilespmem:s19+$0x3870 ss:$0x81] =	vst.msk $0xffff, v0;
	s25 =	smulhi.u32 $0x418938, s21;
	s24 =	sand.u32 s26, s10;
	s22 =	simm.s32 @!p1 $0x3F80  }
0x16: {  	v62 =	vld [tilespmem:s17+$0x20];
	s20 =	sor.u32 s29, s20;
	[tilespmem:s19+$0x810 ss:$0x81] =	vst.msk $0xffff, v5;
	s27 =	sadd.s32 $0xFFFFFC98, s31;
	s22 =	ssub.s32 s22, s24  }
0x17: {  	v63 =	vld [tilespmem:s17+$0xFFFFFFC0];
	[tilespmem:s19+$0x1020 ss:$0x81] =	vst.msk $0xffff, v58;
	s18 =	ssub.s32 $0x3E8, s31;
	s28 =	smul.u32 $0x3E8, s25;
	s29 =	sadd.s32 $0xFFFFC080, s22  }
0x18: {  	[tilespmem:s19+$0x1830 ss:$0x81] =	vst.msk $0xffff, v59;
	p1 =	sgt.s32 s27, $0x7F;
	s22 =	ssub.s32 $0x4000, s22;
	p2 =	sgt.s32 s29, $0x7F  }
0x19: {  	s30 =	sand.u32 $0x7, s10;
	[tilespmem:s19+$0x2040 ss:$0x81] =	vst.msk $0xffff, v60;
	s18 =	simm.s32 @p1 $0x0;
	s22 =	simm.s32 @p2 $0x0  }
0x1a: {  	s20 =	sshrl.u32 s20, $0x3;
	[tilespmem:s19+$0x2850 ss:$0x81] =	vst.msk $0xffff, v61;
	s17 =	ssub.s32 s21, s28;
	s18 =	smul.u32 s22, s18  }
0x1b: {  	[tilespmem:s19+$0x3060 ss:$0x81] =	vst.msk $0xffff, v62;
	s20 =	sadd.s32 s3, s20;
	s21 =	sshll.u32 s30, $0x12;
	s17 =	sshll.u32 s17, $0xB  }
0x1c: {  	[tilespmem:s19+$0x0 ss:$0x81] =	vst.msk $0xffff, v63;
	s31 =	sor.u32 $0x400, s21;
	s17 =	sadd.s32 s17, s20;
	s18 =	sand.u32 $0x3FFFFFFF, s18  }
0x1d: {  	[hbm4b:s17+s31] =	stream.strided.scatter [tilespmem:s16], [sflag:$0x2], s18, s8, s31, $0x20;
	[tilespmem:$0x10100] =	vst v63  }
.LBB1_5:
0x1e: {  	p1 =	slt.u32 s13, $0x2  }
0x1f: {  	s17 =	smov.u32 s15;
	p2 =	sgt.s32 @!p1 s15, $0x368;
	s16 =	sshra.s32 @!p1 s15, $0x1F  }
0x20: {  	p3 =	sgt.s32 @!p1 s14, $0x3F80;
	s18 =	sshra.s32 @!p1 s14, $0x1F;
	p2 =	por !p2, p1  }
0x21: {  	s15 =	sand.u32 @!p1 s16, s15;
	p3 =	por !p3, p1;
	s16 =	smov.u32 s14  }
0x22: {  	s14 =	sand.u32 @!p1 s18, s14;
	s17 =	simm.s32 @p2 $0x368;
	s16 =	simm.s32 @p3 $0x3F80  }
0x23: {  	s15 =	ssub.s32 @!p1 s17, s15;
	s14 =	ssub.s32 @!p1 s16, s14  }
0x24: {  	s18 =	smov.u32 s12;
	s16 =	sadd.s32 @!p1 $0xFFFFFC98, s15;
	s17 =	sadd.s32 @!p1 $0xFFFFC080, s14  }
0x25: {  	s15 =	ssub.s32 @!p1 $0x3E8, s15;
	p2 =	sgt.s32 @!p1 s16, $0x7F;
	p3 =	sgt.s32 @!p1 s17, $0x7F  }
0x26: {  	s14 =	ssub.s32 @!p1 $0x4000, s14;
	p2 =	por !p2, p1;
	p3 =	por !p3, p1  }
0x27: {  	s16 =	sadd.s32 $0x80, s11;
	s15 =	simm.s32 @!p2 $0x0;
	s14 =	simm.s32 @!p3 $0x0  }
0x28: {  	p2 =	sgt.s32 s16, $0x3E7;
	s14 =	smul.u32 @!p1 s14, s15;
	s15 =	sadd.s32 $0x1000, s12  }
0x29: {  	s18 =	smov.u32 @p2 s15  }
0x2a: {  	s16 =	simm.s32 @p2 $0x0;
	p2 =	sgt.s32 s18, $0x3FFF  }
0x2b: {  	s18 =	smov.u32 @p2 s2;
	p2 =	sne.s32 s13, s7  }
.Ltmp1:
0x2c: {  	p0 =	por !p0, !p0;
	s17 =	simm.s32 @!p1 $0x2;
	(pc) =	sbr.rel @!p2 .LBB1_6-.Ltmp1, $4  }
0x2d: {  	s15 =	smov.u32 s9;
	s9 =	smov.u32 s11;
	s14 =	sand.u32 @!p1 $0x3FFFFFFF, s14  }
0x2e: {  	s11 =	smov.u32 s16;
	_ =	swait.ge @!p1 [sflag:s17], s14;
	s19 =	ssub.s32 @!p1 $0x0, s14  }
0x2f: {  	s14 =	smov.u32 s10;
	s13 =	sadd.s32 $0x1, s13;
	[sflag:s17] =	ssyncset.done @!p1 $0x0  }
0x30: {  	s10 =	smov.u32 s12;
	s12 =	smov.u32 s18;
	[sflag:s17] =	ssyncadd.s32 @!p1 s19  }
.LBB1_1:
0x31: {  	p1 =	sge.u32 s13, s6  }
0x32: {  	s31 =	sadd.s32 $0xFFFFFFFF, s13;
	s16 =	sshll.u32 @!p1 s12, $0xA  }
0x33: {  	s17 =	sshll.u32 @!p1 s11, $0x3;
	s18 =	sshll.u32 @!p1 s12, $0x7;
	s16 =	sand.u32 @!p1 $0xFFE000, s16  }
0x34: {  	s19 =	sand.u32 @!p1 $0x78, s11;
	s16 =	sadd.s32 @!p1 s16, s17;
	s17 =	sand.u32 @!p1 $0x380, s18  }
0x35: {  	s18 =	sxor.u32 @!p1 $0xFFFFFFFF, s13;
	s16 =	sand.u32 @!p1 $0xFFFC00, s16;
	s17 =	sor.u32 @!p1 s17, s19  }
0x36: {  	s18 =	sshll.u32 @!p1 s18, $0xE;
	s16 =	sor.u32 @!p1 s16, s17;
	s17 =	sand.u32 @!p1 $0x7, s11  }
0x37: {  	s19 =	simm.s32 @!p1 $0x2000;
	s16 =	sshrl.u32 @!p1 s16, $0x3;
	s17 =	sshll.u32 @!p1 s17, $0x12  }
0x38: {  	s18 =	sand.u32 @!p1 $0x4000, s18;
	s16 =	sadd.s32 @!p1 s5, s16;
	s17 =	sor.u32 @!p1 $0x400, s17  }
0x39: {  	[tilespmem:s18], [sflag:$0x1] =	stream.strided.gather @!p1 [hbm4b:s16+s17], $0x4000, s19, s17, $0x38;
	[tilespmem:$0x10100] =	vst v63  }
0x3a: {  	p1 =	sge.u32 s31, s6  }
.Ltmp2:
0x3b: {  	_ = 	snop;
	(pc) =	sbr.rel @p1 .LBB1_5-.Ltmp2, $1  }
0x3c: {  	_ =	sdelay $0x3  }
0x3d: {  	s16 =	simm.s32 $0x1  }
0x3e: {  	_ =	swait.ge [sflag:s4], $0x4000;
	s16 =	simm.s32 @!p0 $0x0  }
0x3f: {  	[sflag:s4] =	ssyncset.done $0x0;
	s17 =	sshll.u32 s16, $0xE  }
0x40: {  	[sflag:s4] =	ssyncadd.s32 $0xFFFFC000;
	s17 =	sor.u32 $0x40, s17  }
0x41: {  	s16 =	smul.u32 $0x10200, s16;
	v0 =	vld [tilespmem:s17+$0x30]  }
0x42: {  	v1 =	vld [tilespmem:s17+$0xFFFFFFD0]  }
0x43: {  	s16 =	sshrl.u32 s16, $0x2;
	v5 =	vld [tilespmem:s17+$0xFFFFFFE0]  }
0x44: {  	v6 =	vld [tilespmem:s17+$0xFFFFFFF0];
	s19 =	sor.u32 $0x8000, s16  }
0x45: {  	s31 =	sand.u32 $0x1, s13;
	v4 =	vld [tilespmem:s17+$0x0];
	s18 =	sadd.s32 $0x0, s19  }
0x46: {  	v3 =	vld [tilespmem:s17+$0x10];
	s16 =	smul.u32 $0x10200, s31;
	[tilespmem:s18+$0x3870 ss:$0x81] =	vst.msk $0xffff, v0  }
0x47: {  	v2 =	vld [tilespmem:s17+$0x20];
	[tilespmem:s18+$0x810 ss:$0x81] =	vst.msk $0xffff, v1  }
0x48: {  	s16 =	sshrl.u32 s16, $0x2;
	v1 =	vld [tilespmem:s17+$0xFFFFFFC0];
	[tilespmem:s18+$0x1020 ss:$0x81] =	vst.msk $0xffff, v5;
	s17 =	sadd.s32 $0x80, s17  }
0x49: {  	s20 =	simm.s32 $0x4;
	s21 =	simm.s32 $0x8;
	s16 =	sor.u32 $0x8000, s16;
	[tilespmem:s18+$0x1830 ss:$0x81] =	vst.msk $0xffff, v6;
	v0 =	vld [tilespmem:s17+$0x30]  }
.LBB1_3:
0x4a: {  	p1 =	sne.s32 s21, $0x1FC;
	v5 =	vld [tilespmem:s17+$0xFFFFFFD0];
	[tilespmem:s18+$0x2040 ss:$0x81] =	vst.msk $0xffff, v4  }
0x4b: {  	v6 =	vld [tilespmem:s17+$0xFFFFFFE0];
	[tilespmem:s18+$0x2850 ss:$0x81] =	vst.msk $0xffff, v3  }
0x4c: {  	s22 =	sshra.s32 s20, $0x2;
	s20 =	smov.u32 s21;
	v7 =	vld [tilespmem:s17+$0xFFFFFFF0];
	[tilespmem:s18+$0x3060 ss:$0x81] =	vst.msk $0xffff, v2  }
.Ltmp3:
0x4d: {  	v4 =	vld [tilespmem:s17+$0x0];
	[tilespmem:s18+$0x0 ss:$0x81] =	vst.msk $0xffff, v1;
	s18 =	sadd.s32 s22, s19;
	(pc) =	sbr.rel @p1 .LBB1_3-.Ltmp3, $4  }
0x4e: {  	v3 =	vld [tilespmem:s17+$0x10];
	[tilespmem:s18+$0x3870 ss:$0x81] =	vst.msk $0xffff, v0  }
0x4f: {  	[tilespmem:s18+$0x810 ss:$0x81] =	vst.msk $0xffff, v5;
	v2 =	vld [tilespmem:s17+$0x20]  }
0x50: {  	v1 =	vld [tilespmem:s17+$0xFFFFFFC0];
	[tilespmem:s18+$0x1020 ss:$0x81] =	vst.msk $0xffff, v6;
	s17 =	sadd.s32 $0x80, s17  }
0x51: {  	s21 =	sadd.s32 $0x4, s21;
	v0 =	vld [tilespmem:s17+$0x30];
	[tilespmem:s18+$0x1830 ss:$0x81] =	vst.msk $0xffff, v7  }
.Ltmp4:
0x52: {  	_ = 	snop;
	(pc) =	sbr.rel .LBB1_4-.Ltmp4, $1  }
0x53: {  	_ =	sdelay $0x3  }
.LBB1_6:
0x54: {  	_ =	sfence.sel $0x180000  }
0x55: {  	s2 =	simm.s32 $0x1;
	[bflag:$0x0] =	sbarrier.arrive $0xFFFF  }
0x56: {  	s31 =	simm.s32 $0x2;
	[sflag:s2] =	ssyncpa.u1 $0x1  }
0x57: {  	[sflag:s31] =	ssyncpa.u1 $0x1  }
0x58: {  	p0 =	sne.s32 s0, $0x0;
	_ =	strace $0x9000004A  }
0x59: {  	s0 =	sadd.s32 @!p0 $0x100000, s1;
	[bflag:$0x2] =	sbarrier.arrive $0xFFFF  }
0x5a: {  	[sflag:s0] =	ssyncadd.tile.s32 @!p0 $0x1;
	_ =	shalt  }
.Lfunc_end1:
_tile_overlayer_lowered:
.L_overlay_start_2:
0x5b: {  	(tag) =	ssettag $0x2  }
0x5c: {  	s0 =	rddreg [dreg:$0x0];
	s2 =	stileid.u32  }
0x5d: {  	s1 =	rddreg [dreg:$0x1];
	p0 =	sne.s32 s2, $0x0  }
0x5e: {  	s3 =	rddreg [dreg:$0x2];
	[bflag:$0x3] =	sbarrier.arrive $0xFFFF;
	s2 =	simm.s32 @!p0 $0x1C01  }
0x5f: {  	[timem:s3], [sflag:s2] =	dma.local @!p0 [hbm:s0], s1  }
0x60: {  	s0 =	simm.s32 @!p0 $0x1  }
0x61: {  	_ =	swait.ge @!p0 [sflag:s0], s1  }
0x62: {  	s1 =	ssub.s32 @!p0 $0x0, s1;
	[sflag:s0] =	ssyncset.done @!p0 $0x0  }
0x63: {  	[sflag:s0] =	ssyncadd.s32 @!p0 s1  }
0x64: {  	[bflag:$0x3] =	sbarrier.arrive $0xFFFF  }
0x65: {  	_ =	shalt  }

</sc_bundles>
